<compile_context>
chip_gen: v7x
topology: tpu7x:2x2x1
jax: 0.10.2.dev20260603
libtpu: 0.0.44.dev20260713+nightly
codegen_flags: <defaults>
</compile_context>

<pallas_src>
import functools

import jax
import jax.numpy as jnp
from jax import lax
from jax.experimental import pallas as pl
from jax.experimental.pallas import tpu as pltpu
from jax.experimental.pallas import tpu_sc as plsc

N = 10000
E = 160000
R = 4
F = 128

NC = 2
NS = 16
CHUNK = 128
NCHUNK = 79
EPS = NCHUNK * CHUNK
EPAD = NS * EPS
NPAD = N + 8

BN = 2000



def _tables_body(feat_ref, wf_ref, wb_ref, lw_ref, hf_ref, hb_ref, sl_ref):
    x = feat_ref[...]
    hf_ref[...] = jnp.dot(x, wf_ref[...], preferred_element_type=jnp.float32)
    hb_ref[...] = jnp.dot(x, wb_ref[...], preferred_element_type=jnp.float32)
    sl = jnp.dot(x, lw_ref[...], preferred_element_type=jnp.float32)
    sl_ref[...] = sl + sl


def _tables(feat, wf_cat, wb_cat, loop_weight):
    grid = (N // BN,)
    return pl.pallas_call(
        _tables_body,
        grid=grid,
        in_specs=[
            pl.BlockSpec((BN, F), lambda i: (i, 0)),
            pl.BlockSpec((F, R * F), lambda i: (0, 0)),
            pl.BlockSpec((F, R * F), lambda i: (0, 0)),
            pl.BlockSpec((F, F), lambda i: (0, 0)),
        ],
        out_specs=[
            pl.BlockSpec((BN, R * F), lambda i: (i, 0)),
            pl.BlockSpec((BN, R * F), lambda i: (i, 0)),
            pl.BlockSpec((BN, F), lambda i: (i, 0)),
        ],
        out_shape=[
            jax.ShapeDtypeStruct((N, R * F), jnp.float32),
            jax.ShapeDtypeStruct((N, R * F), jnp.float32),
            jax.ShapeDtypeStruct((N, F), jnp.float32),
        ],
    )(feat, wf_cat, wb_cat, loop_weight)



WB = 624
WB_TAIL = NPAD - NS * WB


def _sliced_copy(src, dst, s, add=False):
    pltpu.sync_copy(src.at[pl.ds(s * WB, WB)], dst.at[pl.ds(s * WB, WB)],
                    add=add)

    @pl.when(s == 0)
    def _():
        pltpu.sync_copy(src.at[pl.ds(NS * WB, WB_TAIL)],
                        dst.at[pl.ds(NS * WB, WB_TAIL)], add=add)


def _sc_body(hf, hb, idxf, dstf, idxb, dstb, zacc, ones_h,
             accf, accb, degf, degb,
             acc_s, idx_all, didx_all, rows_v, sem):
    c = lax.axis_index("c")
    s = lax.axis_index("s")

    _sliced_copy(zacc, acc_s, s)
    plsc.subcore_barrier()

    @pl.when(c == 0)
    def _():
        pltpu.sync_copy(idxf.at[s], idx_all)
        pltpu.sync_copy(dstf.at[s], didx_all)

    @pl.when(c == 1)
    def _():
        pltpu.sync_copy(idxb.at[s], idx_all)
        pltpu.sync_copy(dstb.at[s], didx_all)

    def gather_scatter(tab):
        def step(j, carry):
            pltpu.async_copy(tab.at[idx_all.at[j]], rows_v, sem).wait()
            pltpu.sync_copy(rows_v, acc_s.at[didx_all.at[j]], add=True)
            return carry

        lax.fori_loop(0, NCHUNK, step, 0)

    @pl.when(c == 0)
    def _():
        gather_scatter(hf)

    @pl.when(c == 1)
    def _():
        gather_scatter(hb)

    plsc.subcore_barrier()

    @pl.when(c == 0)
    def _():
        _sliced_copy(acc_s, accf, s)

    @pl.when(c == 1)
    def _():
        _sliced_copy(acc_s, accb, s)

    plsc.subcore_barrier()
    _sliced_copy(zacc, acc_s, s)
    pltpu.sync_copy(ones_h, rows_v)
    plsc.subcore_barrier()

    def count_deg():
        def step(j, carry):
            pltpu.sync_copy(rows_v, acc_s.at[didx_all.at[j]], add=True)
            return carry

        lax.fori_loop(0, NCHUNK, step, 0)

    count_deg()
    plsc.subcore_barrier()

    @pl.when(c == 0)
    def _():
        _sliced_copy(acc_s, degf, s)

    @pl.when(c == 1)
    def _():
        _sliced_copy(acc_s, degb, s)


_sc_call = functools.partial(
    pl.kernel,
    out_type=(
        jax.ShapeDtypeStruct((NPAD, F), jnp.float32),
        jax.ShapeDtypeStruct((NPAD, F), jnp.float32),
        jax.ShapeDtypeStruct((NPAD, F), jnp.float32),
        jax.ShapeDtypeStruct((NPAD, F), jnp.float32),
    ),
    mesh=plsc.VectorSubcoreMesh(core_axis_name="c", subcore_axis_name="s",
                                num_cores=NC, num_subcores=NS),
    scratch_types=[
        pltpu.VMEM_SHARED((NPAD, F), jnp.float32),
        pltpu.VMEM((NCHUNK, CHUNK), jnp.int32),
        pltpu.VMEM((NCHUNK, CHUNK), jnp.int32),
        pltpu.VMEM((CHUNK, F), jnp.float32),
        pltpu.SemaphoreType.DMA,
    ],
)(_sc_body)



def _combine_body(sl_ref, accf_ref, accb_ref, degf_ref, degb_ref,
                  fb_ref, bb_ref, sb_ref, out_ref):
    df = degf_ref[:, 0:1]
    db = degb_ref[:, 0:1]
    invf = jnp.where(df > 0.0, 1.0 / jnp.maximum(df, 1.0), 0.0)
    invb = jnp.where(db > 0.0, 1.0 / jnp.maximum(db, 1.0), 0.0)
    gatef = jnp.where(df > 0.0, 1.0, 0.0)
    gateb = jnp.where(db > 0.0, 1.0, 0.0)
    out_ref[...] = (sl_ref[...] + sb_ref[...]
                    + accf_ref[...] * invf + gatef * fb_ref[...]
                    + accb_ref[...] * invb + gateb * bb_ref[...])


def _combine(sl, accf, accb, degf, degb, fb, bb, sb):
    grid = (N // BN,)
    return pl.pallas_call(
        _combine_body,
        grid=grid,
        in_specs=[
            pl.BlockSpec((BN, F), lambda i: (i, 0)),
            pl.BlockSpec((BN, F), lambda i: (i, 0)),
            pl.BlockSpec((BN, F), lambda i: (i, 0)),
            pl.BlockSpec((BN, F), lambda i: (i, 0)),
            pl.BlockSpec((BN, F), lambda i: (i, 0)),
            pl.BlockSpec((1, F), lambda i: (0, 0)),
            pl.BlockSpec((1, F), lambda i: (0, 0)),
            pl.BlockSpec((1, F), lambda i: (0, 0)),
        ],
        out_specs=pl.BlockSpec((BN, F), lambda i: (i, 0)),
        out_shape=jax.ShapeDtypeStruct((N, F), jnp.float32),
    )(sl, accf, accb, degf, degb, fb, bb, sb)



def kernel(feat, edge_index, etypes, W_fwd, W_bwd, forward_bias,
           backward_bias, self_bias, loop_weight, use_dis_weight, drop_out):
    src = edge_index[0].astype(jnp.int32)
    dst = edge_index[1].astype(jnp.int32)
    et = etypes.astype(jnp.int32)

    def pad3(a, fill):
        return jnp.concatenate(
            [a, jnp.full((EPAD - E,), fill, jnp.int32)]).reshape(
                NS, NCHUNK, CHUNK)

    idx_f = pad3(src * R + et, 0)
    dst_f = pad3(dst, N)
    idx_b = pad3(dst * R + et, 0)
    dst_b = pad3(src, N)

    wf_cat = W_fwd.transpose(1, 0, 2).reshape(F, R * F)
    wb_cat = W_bwd.transpose(1, 0, 2).reshape(F, R * F)

    hf, hb, sl = _tables(feat, wf_cat, wb_cat, loop_weight)
    hf = hf.reshape(N * R, F)
    hb = hb.reshape(N * R, F)

    zacc = jnp.zeros((NPAD, F), jnp.float32)
    ones_h = jnp.ones((CHUNK, F), jnp.float32)

    accf, accb, degf, degb = _sc_call(hf, hb, idx_f, dst_f, idx_b, dst_b,
                                      zacc, ones_h)

    return _combine(sl, accf, accb, degf, degb,
                    forward_bias.reshape(1, F), backward_bias.reshape(1, F),
                    self_bias.reshape(1, F))

# --- scband reference (transcript-rebuilt; emitter-appended) ---
"""Pipeline reference for scband-my-rel-graph-conv-87926570484531 (READ-ONLY COPY).

The authoritative reference and input builder live on the scoring server;
editing this copy changes nothing except your own understanding.
"""

import jax, jax.numpy as jnp
import numpy as np

N = 10000
E = 160000
NUM_RELS = 4
IN_FEAT = 128
OUT_FEAT = 128


def setup_inputs(seed: int = 0) -> dict:
    key = jax.random.key(seed)
    k1, k2, k3, k4, k5, k6 = jax.random.split(key, 6)
    feat = jax.random.normal(k1, (N, IN_FEAT), dtype=jnp.float32)
    edge_index = jax.random.randint(k2, (2, E), 0, N)
    etypes = jax.random.randint(k3, (E,), 0, NUM_RELS)
    W_fwd = jax.random.normal(k4, (NUM_RELS, IN_FEAT, OUT_FEAT), dtype=jnp.float32) / np.sqrt(IN_FEAT)
    W_bwd = jax.random.normal(k5, (NUM_RELS, IN_FEAT, OUT_FEAT), dtype=jnp.float32) / np.sqrt(IN_FEAT)
    forward_bias = jnp.zeros((OUT_FEAT,), dtype=jnp.float32)
    backward_bias = jnp.zeros((OUT_FEAT,), dtype=jnp.float32)
    self_bias = jnp.zeros((OUT_FEAT,), dtype=jnp.float32)
    loop_weight = jax.random.normal(k6, (IN_FEAT, OUT_FEAT), dtype=jnp.float32)
    return {
        'feat': feat, 'edge_index': edge_index, 'etypes': etypes,
        'W_fwd': W_fwd, 'W_bwd': W_bwd,
        'forward_bias': forward_bias, 'backward_bias': backward_bias,
        'self_bias': self_bias, 'loop_weight': loop_weight,
        'use_dis_weight': 0, 'drop_out': 0,
    }


def _typed_linear(x, etypes, W):
    # TypedLinear with regularizer=None: per-edge y_e = x_e @ W[etype_e]
    out = jnp.zeros((x.shape[0], W.shape[2]), dtype=x.dtype)
    for r in range(W.shape[0]):
        out = out + jnp.where((etypes == r)[:, None], x @ W[r], 0.0)
    return out


def _norm_by_dst(dst_idx, n_nodes, dtype):
    deg = jax.ops.segment_sum(jnp.ones(dst_idx.shape, dtype=dtype), dst_idx, num_segments=n_nodes)
    inv = jnp.where(deg > 0, 1.0 / jnp.maximum(deg, 1.0), 0.0)
    return inv[dst_idx]


def reference(feat, edge_index, etypes, W_fwd, W_bwd, forward_bias, backward_bias, self_bias, loop_weight, use_dis_weight=0, drop_out=0):
    src = edge_index[0]
    dst = edge_index[1]
    # forward pass over the graph (use_dis_weight=False -> norm_by_dst)
    norm_f = _norm_by_dst(dst, N, feat.dtype)
    m = _typed_linear(feat[src], etypes, W_fwd) + forward_bias
    m = m * norm_f[:, None]
    m_forward = jax.ops.segment_sum(m, dst, num_segments=N)
    # reversed graph: src' = dst, dst' = src (edata copied)
    norm_b = _norm_by_dst(src, N, feat.dtype)
    mb = _typed_linear(feat[dst], etypes, W_bwd) + backward_bias
    mb = mb * norm_b[:, None]
    m_backward = jax.ops.segment_sum(mb, src, num_segments=N)
    # self loop (drop_out=False -> no dropout); faithful to original
    # `self_loop_message += self_loop_message + self_bias` (i.e. 2x + bias)
    self_loop = feat @ loop_weight
    self_loop = self_loop + self_loop + self_bias
    return self_loop + m_forward + m_backward

if __name__ == "__main__":
    import jax
    _d = setup_inputs()
    print(jax.jit(kernel)(*tuple(_d.values())))

</pallas_src>

<mosaic_0001>
#map = affine_map<(d0, d1) -> (0, 0)>
#map1 = affine_map<(d0, d1) -> (0, 0, 0)>
module attributes {stable_mosaic.version = 14 : i64} {
  func.func @_sc_body(%arg0: i32, %arg1: i32, %arg2: memref<40000x128xf32, #tpu.memory_space<hbm>>, %arg3: memref<40000x128xf32, #tpu.memory_space<hbm>>, %arg4: memref<16x79x128xi32, #tpu.memory_space<hbm>>, %arg5: memref<16x79x128xi32, #tpu.memory_space<hbm>>, %arg6: memref<16x79x128xi32, #tpu.memory_space<hbm>>, %arg7: memref<16x79x128xi32, #tpu.memory_space<hbm>>, %arg8: memref<10008x128xf32, #tpu.memory_space<hbm>>, %arg9: memref<128x128xf32, #tpu.memory_space<hbm>>, %arg10: memref<10008x128xf32, #tpu.memory_space<hbm>>, %arg11: memref<10008x128xf32, #tpu.memory_space<hbm>>, %arg12: memref<10008x128xf32, #tpu.memory_space<hbm>>, %arg13: memref<10008x128xf32, #tpu.memory_space<hbm>>, %arg14: memref<10008x128xf32, #tpu.memory_space<vmem_shared>>, %arg15: memref<79x128xi32, #tpu.memory_space<vmem>>, %arg16: memref<79x128xi32, #tpu.memory_space<vmem>>, %arg17: memref<128x128xf32, #tpu.memory_space<vmem>>, %arg18: memref<!tpu.dma_semaphore, #tpu.memory_space<semaphore_mem>>) attributes {dimension_semantics = [#tpu.dimension_semantics<core_parallel>, #tpu.dimension_semantics<subcore_parallel>], iteration_bounds = array<i64: 2, 16>, scalar_prefetch = 0 : i64, scratch_operands = 5 : i64, tpu.core_type = #tpu.core_type<sc_vector_subcore>, window_params = [{transform_indices = #map}, {transform_indices = #map}, {transform_indices = #map1}, {transform_indices = #map1}, {transform_indices = #map1}, {transform_indices = #map1}, {transform_indices = #map}, {transform_indices = #map}, {transform_indices = #map}, {transform_indices = #map}, {transform_indices = #map}, {transform_indices = #map}]} {
    %mul3A = arith.constant 624 : i32
    %mul3A_0 = arith.muli %arg1, %mul3A : i32
    %mul3A_1 = arith.constant 624 : i32
    %mul3A_2 = arith.muli %arg1, %mul3A_1 : i32
    "tpu.region"() ({
      %run_scoped3A = tpu.sem_alloc : memref<!tpu.dma_semaphore, #tpu.memory_space<semaphore_mem>>
      %dma_start3A = arith.constant 0 : i32
      %dma_start3A_63 = tpu.memref_slice %arg14[%mul3A_2, %dma_start3A] : memref<10008x128xf32, #tpu.memory_space<vmem_shared>> -> memref<624x128xf32, #tpu.memory_space<vmem_shared>>
      %dma_start3A_64 = arith.constant 0 : i32
      %dma_start3A_65 = tpu.memref_slice %arg8[%mul3A_0, %dma_start3A_64] : memref<10008x128xf32, #tpu.memory_space<hbm>> -> memref<624x128xf32, #tpu.memory_space<hbm>>
      tpu.enqueue_dma source(%dma_start3A_65 : memref<624x128xf32, #tpu.memory_space<hbm>>) target(%dma_start3A_63 : memref<624x128xf32, #tpu.memory_space<vmem_shared>>) target_semaphore(%run_scoped3A : memref<!tpu.dma_semaphore, #tpu.memory_space<semaphore_mem>>)
      %dma_wait3A = arith.constant 0 : i32
      %dma_wait3A_66 = tpu.memref_slice %arg14[%mul3A_2, %dma_wait3A] : memref<10008x128xf32, #tpu.memory_space<vmem_shared>> -> memref<624x128xf32, #tpu.memory_space<vmem_shared>>
      %dma_wait3A_67 = arith.constant 0 : i32
      %dma_wait3A_68 = tpu.memref_slice %arg8[%mul3A_0, %dma_wait3A_67] : memref<10008x128xf32, #tpu.memory_space<hbm>> -> memref<624x128xf32, #tpu.memory_space<hbm>>
      tpu.wait_dma2 semaphore(%run_scoped3A : memref<!tpu.dma_semaphore, #tpu.memory_space<semaphore_mem>>) src(%dma_wait3A_68 : memref<624x128xf32, #tpu.memory_space<hbm>>) dst(%dma_wait3A_66 : memref<624x128xf32, #tpu.memory_space<vmem_shared>>)
      tpu.yield
    }) : () -> ()
    %eq3A = arith.constant 0 : i32
    %eq3A_3 = arith.cmpi eq, %arg1, %eq3A : i32
    %convert_element_type3A = arith.extui %eq3A_3 : i1 to i32
    %cond3A = arith.constant 0 : i32
    %cond3A_4 = arith.cmpi ne, %convert_element_type3A, %cond3A : i32
    scf.if %cond3A_4 {
      "tpu.region"() ({
        %run_scoped3A = tpu.sem_alloc : memref<!tpu.dma_semaphore, #tpu.memory_space<semaphore_mem>>
        %dma_start3A = arith.constant 9984 : i32
        %dma_start3A_63 = arith.constant 0 : i32
        %dma_start3A_64 = tpu.memref_slice %arg14[%dma_start3A, %dma_start3A_63] : memref<10008x128xf32, #tpu.memory_space<vmem_shared>> -> memref<24x128xf32, #tpu.memory_space<vmem_shared>>
        %dma_start3A_65 = arith.constant 9984 : i32
        %dma_start3A_66 = arith.constant 0 : i32
        %dma_start3A_67 = tpu.memref_slice %arg8[%dma_start3A_65, %dma_start3A_66] : memref<10008x128xf32, #tpu.memory_space<hbm>> -> memref<24x128xf32, #tpu.memory_space<hbm>>
        tpu.enqueue_dma source(%dma_start3A_67 : memref<24x128xf32, #tpu.memory_space<hbm>>) target(%dma_start3A_64 : memref<24x128xf32, #tpu.memory_space<vmem_shared>>) target_semaphore(%run_scoped3A : memref<!tpu.dma_semaphore, #tpu.memory_space<semaphore_mem>>)
        %dma_wait3A = arith.constant 9984 : i32
        %dma_wait3A_68 = arith.constant 0 : i32
        %dma_wait3A_69 = tpu.memref_slice %arg14[%dma_wait3A, %dma_wait3A_68] : memref<10008x128xf32, #tpu.memory_space<vmem_shared>> -> memref<24x128xf32, #tpu.memory_space<vmem_shared>>
        %dma_wait3A_70 = arith.constant 9984 : i32
        %dma_wait3A_71 = arith.constant 0 : i32
        %dma_wait3A_72 = tpu.memref_slice %arg8[%dma_wait3A_70, %dma_wait3A_71] : memref<10008x128xf32, #tpu.memory_space<hbm>> -> memref<24x128xf32, #tpu.memory_space<hbm>>
        tpu.wait_dma2 semaphore(%run_scoped3A : memref<!tpu.dma_semaphore, #tpu.memory_space<semaphore_mem>>) src(%dma_wait3A_72 : memref<24x128xf32, #tpu.memory_space<hbm>>) dst(%dma_wait3A_69 : memref<24x128xf32, #tpu.memory_space<vmem_shared>>)
        tpu.yield
      }) : () -> ()
    } else {
    }
    %barrier3A = arith.constant 0 : index
    tpu.barrier barrier_id(%barrier3A)
    %eq3A_5 = arith.constant 0 : i32
    %eq3A_6 = arith.cmpi eq, %arg0, %eq3A_5 : i32
    %convert_element_type3A_7 = arith.extui %eq3A_6 : i1 to i32
    %cond3A_8 = arith.constant 0 : i32
    %cond3A_9 = arith.cmpi ne, %convert_element_type3A_7, %cond3A_8 : i32
    scf.if %cond3A_9 {
      "tpu.region"() ({
        %run_scoped3A = tpu.sem_alloc : memref<!tpu.dma_semaphore, #tpu.memory_space<semaphore_mem>>
        %dma_start3A = arith.constant 0 : i32
        %dma_start3A_63 = arith.constant 0 : i32
        %dma_start3A_64 = tpu.memref_slice %arg4[%arg1, %dma_start3A, %dma_start3A_63] : memref<16x79x128xi32, #tpu.memory_space<hbm>> -> memref<1x79x128xi32, #tpu.memory_space<hbm>>
        %dma_start3A_65 = tpu.memref_squeeze %dma_start3A_64 : memref<1x79x128xi32, #tpu.memory_space<hbm>> -> memref<79x128xi32, #tpu.memory_space<hbm>>
        %dma_start3A_66 = arith.constant 0 : i32
        %dma_start3A_67 = arith.constant 0 : i32
        %dma_start3A_68 = tpu.memref_slice %arg4[%arg1, %dma_start3A_66, %dma_start3A_67] : memref<16x79x128xi32, #tpu.memory_space<hbm>> -> memref<1x79x128xi32, #tpu.memory_space<hbm>>
        %dma_start3A_69 = tpu.memref_squeeze %dma_start3A_68 : memref<1x79x128xi32, #tpu.memory_space<hbm>> -> memref<79x128xi32, #tpu.memory_space<hbm>>
        tpu.enqueue_dma source(%dma_start3A_69 : memref<79x128xi32, #tpu.memory_space<hbm>>) target(%arg15 : memref<79x128xi32, #tpu.memory_space<vmem>>) target_semaphore(%run_scoped3A : memref<!tpu.dma_semaphore, #tpu.memory_space<semaphore_mem>>)
        %dma_wait3A = arith.constant 0 : i32
        %dma_wait3A_70 = arith.constant 0 : i32
        %dma_wait3A_71 = tpu.memref_slice %arg4[%arg1, %dma_wait3A, %dma_wait3A_70] : memref<16x79x128xi32, #tpu.memory_space<hbm>> -> memref<1x79x128xi32, #tpu.memory_space<hbm>>
        %dma_wait3A_72 = tpu.memref_squeeze %dma_wait3A_71 : memref<1x79x128xi32, #tpu.memory_space<hbm>> -> memref<79x128xi32, #tpu.memory_space<hbm>>
        %dma_wait3A_73 = arith.constant 0 : i32
        %dma_wait3A_74 = arith.constant 0 : i32
        %dma_wait3A_75 = tpu.memref_slice %arg4[%arg1, %dma_wait3A_73, %dma_wait3A_74] : memref<16x79x128xi32, #tpu.memory_space<hbm>> -> memref<1x79x128xi32, #tpu.memory_space<hbm>>
        %dma_wait3A_76 = tpu.memref_squeeze %dma_wait3A_75 : memref<1x79x128xi32, #tpu.memory_space<hbm>> -> memref<79x128xi32, #tpu.memory_space<hbm>>
        tpu.wait_dma2 semaphore(%run_scoped3A : memref<!tpu.dma_semaphore, #tpu.memory_space<semaphore_mem>>) src(%dma_wait3A_76 : memref<79x128xi32, #tpu.memory_space<hbm>>) dst(%arg15 : memref<79x128xi32, #tpu.memory_space<vmem>>)
        tpu.yield
      }) : () -> ()
      "tpu.region"() ({
        %run_scoped3A = tpu.sem_alloc : memref<!tpu.dma_semaphore, #tpu.memory_space<semaphore_mem>>
        %dma_start3A = arith.constant 0 : i32
        %dma_start3A_63 = arith.constant 0 : i32
        %dma_start3A_64 = tpu.memref_slice %arg5[%arg1, %dma_start3A, %dma_start3A_63] : memref<16x79x128xi32, #tpu.memory_space<hbm>> -> memref<1x79x128xi32, #tpu.memory_space<hbm>>
        %dma_start3A_65 = tpu.memref_squeeze %dma_start3A_64 : memref<1x79x128xi32, #tpu.memory_space<hbm>> -> memref<79x128xi32, #tpu.memory_space<hbm>>
        %dma_start3A_66 = arith.constant 0 : i32
        %dma_start3A_67 = arith.constant 0 : i32
        %dma_start3A_68 = tpu.memref_slice %arg5[%arg1, %dma_start3A_66, %dma_start3A_67] : memref<16x79x128xi32, #tpu.memory_space<hbm>> -> memref<1x79x128xi32, #tpu.memory_space<hbm>>
        %dma_start3A_69 = tpu.memref_squeeze %dma_start3A_68 : memref<1x79x128xi32, #tpu.memory_space<hbm>> -> memref<79x128xi32, #tpu.memory_space<hbm>>
        tpu.enqueue_dma source(%dma_start3A_69 : memref<79x128xi32, #tpu.memory_space<hbm>>) target(%arg16 : memref<79x128xi32, #tpu.memory_space<vmem>>) target_semaphore(%run_scoped3A : memref<!tpu.dma_semaphore, #tpu.memory_space<semaphore_mem>>)
        %dma_wait3A = arith.constant 0 : i32
        %dma_wait3A_70 = arith.constant 0 : i32
        %dma_wait3A_71 = tpu.memref_slice %arg5[%arg1, %dma_wait3A, %dma_wait3A_70] : memref<16x79x128xi32, #tpu.memory_space<hbm>> -> memref<1x79x128xi32, #tpu.memory_space<hbm>>
        %dma_wait3A_72 = tpu.memref_squeeze %dma_wait3A_71 : memref<1x79x128xi32, #tpu.memory_space<hbm>> -> memref<79x128xi32, #tpu.memory_space<hbm>>
        %dma_wait3A_73 = arith.constant 0 : i32
        %dma_wait3A_74 = arith.constant 0 : i32
        %dma_wait3A_75 = tpu.memref_slice %arg5[%arg1, %dma_wait3A_73, %dma_wait3A_74] : memref<16x79x128xi32, #tpu.memory_space<hbm>> -> memref<1x79x128xi32, #tpu.memory_space<hbm>>
        %dma_wait3A_76 = tpu.memref_squeeze %dma_wait3A_75 : memref<1x79x128xi32, #tpu.memory_space<hbm>> -> memref<79x128xi32, #tpu.memory_space<hbm>>
        tpu.wait_dma2 semaphore(%run_scoped3A : memref<!tpu.dma_semaphore, #tpu.memory_space<semaphore_mem>>) src(%dma_wait3A_76 : memref<79x128xi32, #tpu.memory_space<hbm>>) dst(%arg16 : memref<79x128xi32, #tpu.memory_space<vmem>>)
        tpu.yield
      }) : () -> ()
    } else {
    }
    %eq3A_10 = arith.constant 1 : i32
    %eq3A_11 = arith.cmpi eq, %arg0, %eq3A_10 : i32
    %convert_element_type3A_12 = arith.extui %eq3A_11 : i1 to i32
    %cond3A_13 = arith.constant 0 : i32
    %cond3A_14 = arith.cmpi ne, %convert_element_type3A_12, %cond3A_13 : i32
    scf.if %cond3A_14 {
      "tpu.region"() ({
        %run_scoped3A = tpu.sem_alloc : memref<!tpu.dma_semaphore, #tpu.memory_space<semaphore_mem>>
        %dma_start3A = arith.constant 0 : i32
        %dma_start3A_63 = arith.constant 0 : i32
        %dma_start3A_64 = tpu.memref_slice %arg6[%arg1, %dma_start3A, %dma_start3A_63] : memref<16x79x128xi32, #tpu.memory_space<hbm>> -> memref<1x79x128xi32, #tpu.memory_space<hbm>>
        %dma_start3A_65 = tpu.memref_squeeze %dma_start3A_64 : memref<1x79x128xi32, #tpu.memory_space<hbm>> -> memref<79x128xi32, #tpu.memory_space<hbm>>
        %dma_start3A_66 = arith.constant 0 : i32
        %dma_start3A_67 = arith.constant 0 : i32
        %dma_start3A_68 = tpu.memref_slice %arg6[%arg1, %dma_start3A_66, %dma_start3A_67] : memref<16x79x128xi32, #tpu.memory_space<hbm>> -> memref<1x79x128xi32, #tpu.memory_space<hbm>>
        %dma_start3A_69 = tpu.memref_squeeze %dma_start3A_68 : memref<1x79x128xi32, #tpu.memory_space<hbm>> -> memref<79x128xi32, #tpu.memory_space<hbm>>
        tpu.enqueue_dma source(%dma_start3A_69 : memref<79x128xi32, #tpu.memory_space<hbm>>) target(%arg15 : memref<79x128xi32, #tpu.memory_space<vmem>>) target_semaphore(%run_scoped3A : memref<!tpu.dma_semaphore, #tpu.memory_space<semaphore_mem>>)
        %dma_wait3A = arith.constant 0 : i32
        %dma_wait3A_70 = arith.constant 0 : i32
        %dma_wait3A_71 = tpu.memref_slice %arg6[%arg1, %dma_wait3A, %dma_wait3A_70] : memref<16x79x128xi32, #tpu.memory_space<hbm>> -> memref<1x79x128xi32, #tpu.memory_space<hbm>>
        %dma_wait3A_72 = tpu.memref_squeeze %dma_wait3A_71 : memref<1x79x128xi32, #tpu.memory_space<hbm>> -> memref<79x128xi32, #tpu.memory_space<hbm>>
        %dma_wait3A_73 = arith.constant 0 : i32
        %dma_wait3A_74 = arith.constant 0 : i32
        %dma_wait3A_75 = tpu.memref_slice %arg6[%arg1, %dma_wait3A_73, %dma_wait3A_74] : memref<16x79x128xi32, #tpu.memory_space<hbm>> -> memref<1x79x128xi32, #tpu.memory_space<hbm>>
        %dma_wait3A_76 = tpu.memref_squeeze %dma_wait3A_75 : memref<1x79x128xi32, #tpu.memory_space<hbm>> -> memref<79x128xi32, #tpu.memory_space<hbm>>
        tpu.wait_dma2 semaphore(%run_scoped3A : memref<!tpu.dma_semaphore, #tpu.memory_space<semaphore_mem>>) src(%dma_wait3A_76 : memref<79x128xi32, #tpu.memory_space<hbm>>) dst(%arg15 : memref<79x128xi32, #tpu.memory_space<vmem>>)
        tpu.yield
      }) : () -> ()
      "tpu.region"() ({
        %run_scoped3A = tpu.sem_alloc : memref<!tpu.dma_semaphore, #tpu.memory_space<semaphore_mem>>
        %dma_start3A = arith.constant 0 : i32
        %dma_start3A_63 = arith.constant 0 : i32
        %dma_start3A_64 = tpu.memref_slice %arg7[%arg1, %dma_start3A, %dma_start3A_63] : memref<16x79x128xi32, #tpu.memory_space<hbm>> -> memref<1x79x128xi32, #tpu.memory_space<hbm>>
        %dma_start3A_65 = tpu.memref_squeeze %dma_start3A_64 : memref<1x79x128xi32, #tpu.memory_space<hbm>> -> memref<79x128xi32, #tpu.memory_space<hbm>>
        %dma_start3A_66 = arith.constant 0 : i32
        %dma_start3A_67 = arith.constant 0 : i32
        %dma_start3A_68 = tpu.memref_slice %arg7[%arg1, %dma_start3A_66, %dma_start3A_67] : memref<16x79x128xi32, #tpu.memory_space<hbm>> -> memref<1x79x128xi32, #tpu.memory_space<hbm>>
        %dma_start3A_69 = tpu.memref_squeeze %dma_start3A_68 : memref<1x79x128xi32, #tpu.memory_space<hbm>> -> memref<79x128xi32, #tpu.memory_space<hbm>>
        tpu.enqueue_dma source(%dma_start3A_69 : memref<79x128xi32, #tpu.memory_space<hbm>>) target(%arg16 : memref<79x128xi32, #tpu.memory_space<vmem>>) target_semaphore(%run_scoped3A : memref<!tpu.dma_semaphore, #tpu.memory_space<semaphore_mem>>)
        %dma_wait3A = arith.constant 0 : i32
        %dma_wait3A_70 = arith.constant 0 : i32
        %dma_wait3A_71 = tpu.memref_slice %arg7[%arg1, %dma_wait3A, %dma_wait3A_70] : memref<16x79x128xi32, #tpu.memory_space<hbm>> -> memref<1x79x128xi32, #tpu.memory_space<hbm>>
        %dma_wait3A_72 = tpu.memref_squeeze %dma_wait3A_71 : memref<1x79x128xi32, #tpu.memory_space<hbm>> -> memref<79x128xi32, #tpu.memory_space<hbm>>
        %dma_wait3A_73 = arith.constant 0 : i32
        %dma_wait3A_74 = arith.constant 0 : i32
        %dma_wait3A_75 = tpu.memref_slice %arg7[%arg1, %dma_wait3A_73, %dma_wait3A_74] : memref<16x79x128xi32, #tpu.memory_space<hbm>> -> memref<1x79x128xi32, #tpu.memory_space<hbm>>
        %dma_wait3A_76 = tpu.memref_squeeze %dma_wait3A_75 : memref<1x79x128xi32, #tpu.memory_space<hbm>> -> memref<79x128xi32, #tpu.memory_space<hbm>>
        tpu.wait_dma2 semaphore(%run_scoped3A : memref<!tpu.dma_semaphore, #tpu.memory_space<semaphore_mem>>) src(%dma_wait3A_76 : memref<79x128xi32, #tpu.memory_space<hbm>>) dst(%arg16 : memref<79x128xi32, #tpu.memory_space<vmem>>)
        tpu.yield
      }) : () -> ()
    } else {
    }
    %eq3A_15 = arith.constant 0 : i32
    %eq3A_16 = arith.cmpi eq, %arg0, %eq3A_15 : i32
    %convert_element_type3A_17 = arith.extui %eq3A_16 : i1 to i32
    %cond3A_18 = arith.constant 0 : i32
    %cond3A_19 = arith.cmpi ne, %convert_element_type3A_17, %cond3A_18 : i32
    scf.if %cond3A_19 {
      %scan3A_63 = arith.constant 0 : i32
      %scan3A_64 = arith.constant 0 : i32
      %scan3A_65 = arith.constant 79 : i32
      %scan3A_66 = arith.addi %scan3A_64, %scan3A_65 : i32
      %scan3A_67 = arith.constant 1 : i32
      scf.for %scan3A_69 = %scan3A_64 to %scan3A_66 step %scan3A_67  : i32 {
        %dma_start3A = arith.constant 0 : i32
        %dma_start3A_70 = tpu.memref_slice %arg15[%scan3A_69, %dma_start3A] : memref<79x128xi32, #tpu.memory_space<vmem>> -> memref<1x128xi32, #tpu.memory_space<vmem>>
        %dma_start3A_71 = tpu.memref_squeeze %dma_start3A_70 : memref<1x128xi32, #tpu.memory_space<vmem>> -> memref<128xi32, #tpu.memory_space<vmem>>
        %dma_start3A_72 = arith.constant 0 : i32
        %dma_start3A_73 = arith.constant 0 : i32
        %dma_start3A_74 = tpu.memref_slice %arg2[%dma_start3A_72, %dma_start3A_73] : memref<40000x128xf32, #tpu.memory_space<hbm>> -> memref<40000x128xf32, #tpu.memory_space<hbm>>
        tpu.enqueue_indirect_dma source(%dma_start3A_74 : memref<40000x128xf32, #tpu.memory_space<hbm>>) target(%arg17 : memref<128x128xf32, #tpu.memory_space<vmem>>) offsets(%dma_start3A_71 : memref<128xi32, #tpu.memory_space<vmem>>) semaphore(%arg18 : memref<!tpu.dma_semaphore, #tpu.memory_space<semaphore_mem>>)
        %dma_wait3A = arith.constant 0 : i32
        %dma_wait3A_75 = tpu.memref_slice %arg15[%scan3A_69, %dma_wait3A] : memref<79x128xi32, #tpu.memory_space<vmem>> -> memref<1x128xi32, #tpu.memory_space<vmem>>
        %dma_wait3A_76 = tpu.memref_squeeze %dma_wait3A_75 : memref<1x128xi32, #tpu.memory_space<vmem>> -> memref<128xi32, #tpu.memory_space<vmem>>
        %dma_wait3A_77 = arith.constant 0 : i32
        %dma_wait3A_78 = arith.constant 0 : i32
        %dma_wait3A_79 = tpu.memref_slice %arg2[%dma_wait3A_77, %dma_wait3A_78] : memref<40000x128xf32, #tpu.memory_space<hbm>> -> memref<40000x128xf32, #tpu.memory_space<hbm>>
        tpu.wait_indirect_dma semaphore(%arg18 : memref<!tpu.dma_semaphore, #tpu.memory_space<semaphore_mem>>) src(%dma_wait3A_79 : memref<40000x128xf32, #tpu.memory_space<hbm>>) dst(%arg17 : memref<128x128xf32, #tpu.memory_space<vmem>>)
        "tpu.region"() ({
          %run_scoped3A = tpu.sem_alloc : memref<!tpu.dma_semaphore, #tpu.memory_space<semaphore_mem>>
          %dma_start3A_80 = arith.constant 0 : i32
          %dma_start3A_81 = tpu.memref_slice %arg16[%scan3A_69, %dma_start3A_80] : memref<79x128xi32, #tpu.memory_space<vmem>> -> memref<1x128xi32, #tpu.memory_space<vmem>>
          %dma_start3A_82 = tpu.memref_squeeze %dma_start3A_81 : memref<1x128xi32, #tpu.memory_space<vmem>> -> memref<128xi32, #tpu.memory_space<vmem>>
          %dma_start3A_83 = arith.constant 0 : i32
          %dma_start3A_84 = arith.constant 0 : i32
          %dma_start3A_85 = tpu.memref_slice %arg14[%dma_start3A_83, %dma_start3A_84] : memref<10008x128xf32, #tpu.memory_space<vmem_shared>> -> memref<10008x128xf32, #tpu.memory_space<vmem_shared>>
          tpu.enqueue_indirect_dma source(%arg17 : memref<128x128xf32, #tpu.memory_space<vmem>>) target(%dma_start3A_85 : memref<10008x128xf32, #tpu.memory_space<vmem_shared>>) offsets(%dma_start3A_82 : memref<128xi32, #tpu.memory_space<vmem>>) semaphore(%run_scoped3A : memref<!tpu.dma_semaphore, #tpu.memory_space<semaphore_mem>>) {add = true}
          %dma_wait3A_86 = arith.constant 0 : i32
          %dma_wait3A_87 = tpu.memref_slice %arg16[%scan3A_69, %dma_wait3A_86] : memref<79x128xi32, #tpu.memory_space<vmem>> -> memref<1x128xi32, #tpu.memory_space<vmem>>
          %dma_wait3A_88 = tpu.memref_squeeze %dma_wait3A_87 : memref<1x128xi32, #tpu.memory_space<vmem>> -> memref<128xi32, #tpu.memory_space<vmem>>
          %dma_wait3A_89 = arith.constant 0 : i32
          %dma_wait3A_90 = arith.constant 0 : i32
          %dma_wait3A_91 = tpu.memref_slice %arg14[%dma_wait3A_89, %dma_wait3A_90] : memref<10008x128xf32, #tpu.memory_space<vmem_shared>> -> memref<10008x128xf32, #tpu.memory_space<vmem_shared>>
          tpu.wait_indirect_dma semaphore(%run_scoped3A : memref<!tpu.dma_semaphore, #tpu.memory_space<semaphore_mem>>) src(%arg17 : memref<128x128xf32, #tpu.memory_space<vmem>>) dst(%dma_wait3A_91 : memref<10008x128xf32, #tpu.memory_space<vmem_shared>>)
          tpu.yield
        }) : () -> ()
      }
      %scan3A_68 = arith.constant 79 : i32
    } else {
    }
    %eq3A_20 = arith.constant 1 : i32
    %eq3A_21 = arith.cmpi eq, %arg0, %eq3A_20 : i32
    %convert_element_type3A_22 = arith.extui %eq3A_21 : i1 to i32
    %cond3A_23 = arith.constant 0 : i32
    %cond3A_24 = arith.cmpi ne, %convert_element_type3A_22, %cond3A_23 : i32
    scf.if %cond3A_24 {
      %scan3A_63 = arith.constant 0 : i32
      %scan3A_64 = arith.constant 0 : i32
      %scan3A_65 = arith.constant 79 : i32
      %scan3A_66 = arith.addi %scan3A_64, %scan3A_65 : i32
      %scan3A_67 = arith.constant 1 : i32
      scf.for %scan3A_69 = %scan3A_64 to %scan3A_66 step %scan3A_67  : i32 {
        %dma_start3A = arith.constant 0 : i32
        %dma_start3A_70 = tpu.memref_slice %arg15[%scan3A_69, %dma_start3A] : memref<79x128xi32, #tpu.memory_space<vmem>> -> memref<1x128xi32, #tpu.memory_space<vmem>>
        %dma_start3A_71 = tpu.memref_squeeze %dma_start3A_70 : memref<1x128xi32, #tpu.memory_space<vmem>> -> memref<128xi32, #tpu.memory_space<vmem>>
        %dma_start3A_72 = arith.constant 0 : i32
        %dma_start3A_73 = arith.constant 0 : i32
        %dma_start3A_74 = tpu.memref_slice %arg3[%dma_start3A_72, %dma_start3A_73] : memref<40000x128xf32, #tpu.memory_space<hbm>> -> memref<40000x128xf32, #tpu.memory_space<hbm>>
        tpu.enqueue_indirect_dma source(%dma_start3A_74 : memref<40000x128xf32, #tpu.memory_space<hbm>>) target(%arg17 : memref<128x128xf32, #tpu.memory_space<vmem>>) offsets(%dma_start3A_71 : memref<128xi32, #tpu.memory_space<vmem>>) semaphore(%arg18 : memref<!tpu.dma_semaphore, #tpu.memory_space<semaphore_mem>>)
        %dma_wait3A = arith.constant 0 : i32
        %dma_wait3A_75 = tpu.memref_slice %arg15[%scan3A_69, %dma_wait3A] : memref<79x128xi32, #tpu.memory_space<vmem>> -> memref<1x128xi32, #tpu.memory_space<vmem>>
        %dma_wait3A_76 = tpu.memref_squeeze %dma_wait3A_75 : memref<1x128xi32, #tpu.memory_space<vmem>> -> memref<128xi32, #tpu.memory_space<vmem>>
        %dma_wait3A_77 = arith.constant 0 : i32
        %dma_wait3A_78 = arith.constant 0 : i32
        %dma_wait3A_79 = tpu.memref_slice %arg3[%dma_wait3A_77, %dma_wait3A_78] : memref<40000x128xf32, #tpu.memory_space<hbm>> -> memref<40000x128xf32, #tpu.memory_space<hbm>>
        tpu.wait_indirect_dma semaphore(%arg18 : memref<!tpu.dma_semaphore, #tpu.memory_space<semaphore_mem>>) src(%dma_wait3A_79 : memref<40000x128xf32, #tpu.memory_space<hbm>>) dst(%arg17 : memref<128x128xf32, #tpu.memory_space<vmem>>)
        "tpu.region"() ({
          %run_scoped3A = tpu.sem_alloc : memref<!tpu.dma_semaphore, #tpu.memory_space<semaphore_mem>>
          %dma_start3A_80 = arith.constant 0 : i32
          %dma_start3A_81 = tpu.memref_slice %arg16[%scan3A_69, %dma_start3A_80] : memref<79x128xi32, #tpu.memory_space<vmem>> -> memref<1x128xi32, #tpu.memory_space<vmem>>
          %dma_start3A_82 = tpu.memref_squeeze %dma_start3A_81 : memref<1x128xi32, #tpu.memory_space<vmem>> -> memref<128xi32, #tpu.memory_space<vmem>>
          %dma_start3A_83 = arith.constant 0 : i32
          %dma_start3A_84 = arith.constant 0 : i32
          %dma_start3A_85 = tpu.memref_slice %arg14[%dma_start3A_83, %dma_start3A_84] : memref<10008x128xf32, #tpu.memory_space<vmem_shared>> -> memref<10008x128xf32, #tpu.memory_space<vmem_shared>>
          tpu.enqueue_indirect_dma source(%arg17 : memref<128x128xf32, #tpu.memory_space<vmem>>) target(%dma_start3A_85 : memref<10008x128xf32, #tpu.memory_space<vmem_shared>>) offsets(%dma_start3A_82 : memref<128xi32, #tpu.memory_space<vmem>>) semaphore(%run_scoped3A : memref<!tpu.dma_semaphore, #tpu.memory_space<semaphore_mem>>) {add = true}
          %dma_wait3A_86 = arith.constant 0 : i32
          %dma_wait3A_87 = tpu.memref_slice %arg16[%scan3A_69, %dma_wait3A_86] : memref<79x128xi32, #tpu.memory_space<vmem>> -> memref<1x128xi32, #tpu.memory_space<vmem>>
          %dma_wait3A_88 = tpu.memref_squeeze %dma_wait3A_87 : memref<1x128xi32, #tpu.memory_space<vmem>> -> memref<128xi32, #tpu.memory_space<vmem>>
          %dma_wait3A_89 = arith.constant 0 : i32
          %dma_wait3A_90 = arith.constant 0 : i32
          %dma_wait3A_91 = tpu.memref_slice %arg14[%dma_wait3A_89, %dma_wait3A_90] : memref<10008x128xf32, #tpu.memory_space<vmem_shared>> -> memref<10008x128xf32, #tpu.memory_space<vmem_shared>>
          tpu.wait_indirect_dma semaphore(%run_scoped3A : memref<!tpu.dma_semaphore, #tpu.memory_space<semaphore_mem>>) src(%arg17 : memref<128x128xf32, #tpu.memory_space<vmem>>) dst(%dma_wait3A_91 : memref<10008x128xf32, #tpu.memory_space<vmem_shared>>)
          tpu.yield
        }) : () -> ()
      }
      %scan3A_68 = arith.constant 79 : i32
    } else {
    }
    %barrier3A_25 = arith.constant 0 : index
    tpu.barrier barrier_id(%barrier3A_25)
    %eq3A_26 = arith.constant 0 : i32
    %eq3A_27 = arith.cmpi eq, %arg0, %eq3A_26 : i32
    %convert_element_type3A_28 = arith.extui %eq3A_27 : i1 to i32
    %cond3A_29 = arith.constant 0 : i32
    %cond3A_30 = arith.cmpi ne, %convert_element_type3A_28, %cond3A_29 : i32
    scf.if %cond3A_30 {
      %mul3A_63 = arith.constant 624 : i32
      %mul3A_64 = arith.muli %arg1, %mul3A_63 : i32
      %mul3A_65 = arith.constant 624 : i32
      %mul3A_66 = arith.muli %arg1, %mul3A_65 : i32
      "tpu.region"() ({
        %run_scoped3A = tpu.sem_alloc : memref<!tpu.dma_semaphore, #tpu.memory_space<semaphore_mem>>
        %dma_start3A = arith.constant 0 : i32
        %dma_start3A_72 = tpu.memref_slice %arg10[%mul3A_66, %dma_start3A] : memref<10008x128xf32, #tpu.memory_space<hbm>> -> memref<624x128xf32, #tpu.memory_space<hbm>>
        %dma_start3A_73 = arith.constant 0 : i32
        %dma_start3A_74 = tpu.memref_slice %arg14[%mul3A_64, %dma_start3A_73] : memref<10008x128xf32, #tpu.memory_space<vmem_shared>> -> memref<624x128xf32, #tpu.memory_space<vmem_shared>>
        tpu.enqueue_dma source(%dma_start3A_74 : memref<624x128xf32, #tpu.memory_space<vmem_shared>>) target(%dma_start3A_72 : memref<624x128xf32, #tpu.memory_space<hbm>>) target_semaphore(%run_scoped3A : memref<!tpu.dma_semaphore, #tpu.memory_space<semaphore_mem>>)
        %dma_wait3A = arith.constant 0 : i32
        %dma_wait3A_75 = tpu.memref_slice %arg10[%mul3A_66, %dma_wait3A] : memref<10008x128xf32, #tpu.memory_space<hbm>> -> memref<624x128xf32, #tpu.memory_space<hbm>>
        %dma_wait3A_76 = arith.constant 0 : i32
        %dma_wait3A_77 = tpu.memref_slice %arg14[%mul3A_64, %dma_wait3A_76] : memref<10008x128xf32, #tpu.memory_space<vmem_shared>> -> memref<624x128xf32, #tpu.memory_space<vmem_shared>>
        tpu.wait_dma2 semaphore(%run_scoped3A : memref<!tpu.dma_semaphore, #tpu.memory_space<semaphore_mem>>) src(%dma_wait3A_77 : memref<624x128xf32, #tpu.memory_space<vmem_shared>>) dst(%dma_wait3A_75 : memref<624x128xf32, #tpu.memory_space<hbm>>)
        tpu.yield
      }) : () -> ()
      %eq3A_67 = arith.constant 0 : i32
      %eq3A_68 = arith.cmpi eq, %arg1, %eq3A_67 : i32
      %convert_element_type3A_69 = arith.extui %eq3A_68 : i1 to i32
      %cond3A_70 = arith.constant 0 : i32
      %cond3A_71 = arith.cmpi ne, %convert_element_type3A_69, %cond3A_70 : i32
      scf.if %cond3A_71 {
        "tpu.region"() ({
          %run_scoped3A = tpu.sem_alloc : memref<!tpu.dma_semaphore, #tpu.memory_space<semaphore_mem>>
          %dma_start3A = arith.constant 9984 : i32
          %dma_start3A_72 = arith.constant 0 : i32
          %dma_start3A_73 = tpu.memref_slice %arg10[%dma_start3A, %dma_start3A_72] : memref<10008x128xf32, #tpu.memory_space<hbm>> -> memref<24x128xf32, #tpu.memory_space<hbm>>
          %dma_start3A_74 = arith.constant 9984 : i32
          %dma_start3A_75 = arith.constant 0 : i32
          %dma_start3A_76 = tpu.memref_slice %arg14[%dma_start3A_74, %dma_start3A_75] : memref<10008x128xf32, #tpu.memory_space<vmem_shared>> -> memref<24x128xf32, #tpu.memory_space<vmem_shared>>
          tpu.enqueue_dma source(%dma_start3A_76 : memref<24x128xf32, #tpu.memory_space<vmem_shared>>) target(%dma_start3A_73 : memref<24x128xf32, #tpu.memory_space<hbm>>) target_semaphore(%run_scoped3A : memref<!tpu.dma_semaphore, #tpu.memory_space<semaphore_mem>>)
          %dma_wait3A = arith.constant 9984 : i32
          %dma_wait3A_77 = arith.constant 0 : i32
          %dma_wait3A_78 = tpu.memref_slice %arg10[%dma_wait3A, %dma_wait3A_77] : memref<10008x128xf32, #tpu.memory_space<hbm>> -> memref<24x128xf32, #tpu.memory_space<hbm>>
          %dma_wait3A_79 = arith.constant 9984 : i32
          %dma_wait3A_80 = arith.constant 0 : i32
          %dma_wait3A_81 = tpu.memref_slice %arg14[%dma_wait3A_79, %dma_wait3A_80] : memref<10008x128xf32, #tpu.memory_space<vmem_shared>> -> memref<24x128xf32, #tpu.memory_space<vmem_shared>>
          tpu.wait_dma2 semaphore(%run_scoped3A : memref<!tpu.dma_semaphore, #tpu.memory_space<semaphore_mem>>) src(%dma_wait3A_81 : memref<24x128xf32, #tpu.memory_space<vmem_shared>>) dst(%dma_wait3A_78 : memref<24x128xf32, #tpu.memory_space<hbm>>)
          tpu.yield
        }) : () -> ()
      } else {
      }
    } else {
    }
    %eq3A_31 = arith.constant 1 : i32
    %eq3A_32 = arith.cmpi eq, %arg0, %eq3A_31 : i32
    %convert_element_type3A_33 = arith.extui %eq3A_32 : i1 to i32
    %cond3A_34 = arith.constant 0 : i32
    %cond3A_35 = arith.cmpi ne, %convert_element_type3A_33, %cond3A_34 : i32
    scf.if %cond3A_35 {
      %mul3A_63 = arith.constant 624 : i32
      %mul3A_64 = arith.muli %arg1, %mul3A_63 : i32
      %mul3A_65 = arith.constant 624 : i32
      %mul3A_66 = arith.muli %arg1, %mul3A_65 : i32
      "tpu.region"() ({
        %run_scoped3A = tpu.sem_alloc : memref<!tpu.dma_semaphore, #tpu.memory_space<semaphore_mem>>
        %dma_start3A = arith.constant 0 : i32
        %dma_start3A_72 = tpu.memref_slice %arg11[%mul3A_66, %dma_start3A] : memref<10008x128xf32, #tpu.memory_space<hbm>> -> memref<624x128xf32, #tpu.memory_space<hbm>>
        %dma_start3A_73 = arith.constant 0 : i32
        %dma_start3A_74 = tpu.memref_slice %arg14[%mul3A_64, %dma_start3A_73] : memref<10008x128xf32, #tpu.memory_space<vmem_shared>> -> memref<624x128xf32, #tpu.memory_space<vmem_shared>>
        tpu.enqueue_dma source(%dma_start3A_74 : memref<624x128xf32, #tpu.memory_space<vmem_shared>>) target(%dma_start3A_72 : memref<624x128xf32, #tpu.memory_space<hbm>>) target_semaphore(%run_scoped3A : memref<!tpu.dma_semaphore, #tpu.memory_space<semaphore_mem>>)
        %dma_wait3A = arith.constant 0 : i32
        %dma_wait3A_75 = tpu.memref_slice %arg11[%mul3A_66, %dma_wait3A] : memref<10008x128xf32, #tpu.memory_space<hbm>> -> memref<624x128xf32, #tpu.memory_space<hbm>>
        %dma_wait3A_76 = arith.constant 0 : i32
        %dma_wait3A_77 = tpu.memref_slice %arg14[%mul3A_64, %dma_wait3A_76] : memref<10008x128xf32, #tpu.memory_space<vmem_shared>> -> memref<624x128xf32, #tpu.memory_space<vmem_shared>>
        tpu.wait_dma2 semaphore(%run_scoped3A : memref<!tpu.dma_semaphore, #tpu.memory_space<semaphore_mem>>) src(%dma_wait3A_77 : memref<624x128xf32, #tpu.memory_space<vmem_shared>>) dst(%dma_wait3A_75 : memref<624x128xf32, #tpu.memory_space<hbm>>)
        tpu.yield
      }) : () -> ()
      %eq3A_67 = arith.constant 0 : i32
      %eq3A_68 = arith.cmpi eq, %arg1, %eq3A_67 : i32
      %convert_element_type3A_69 = arith.extui %eq3A_68 : i1 to i32
      %cond3A_70 = arith.constant 0 : i32
      %cond3A_71 = arith.cmpi ne, %convert_element_type3A_69, %cond3A_70 : i32
      scf.if %cond3A_71 {
        "tpu.region"() ({
          %run_scoped3A = tpu.sem_alloc : memref<!tpu.dma_semaphore, #tpu.memory_space<semaphore_mem>>
          %dma_start3A = arith.constant 9984 : i32
          %dma_start3A_72 = arith.constant 0 : i32
          %dma_start3A_73 = tpu.memref_slice %arg11[%dma_start3A, %dma_start3A_72] : memref<10008x128xf32, #tpu.memory_space<hbm>> -> memref<24x128xf32, #tpu.memory_space<hbm>>
          %dma_start3A_74 = arith.constant 9984 : i32
          %dma_start3A_75 = arith.constant 0 : i32
          %dma_start3A_76 = tpu.memref_slice %arg14[%dma_start3A_74, %dma_start3A_75] : memref<10008x128xf32, #tpu.memory_space<vmem_shared>> -> memref<24x128xf32, #tpu.memory_space<vmem_shared>>
          tpu.enqueue_dma source(%dma_start3A_76 : memref<24x128xf32, #tpu.memory_space<vmem_shared>>) target(%dma_start3A_73 : memref<24x128xf32, #tpu.memory_space<hbm>>) target_semaphore(%run_scoped3A : memref<!tpu.dma_semaphore, #tpu.memory_space<semaphore_mem>>)
          %dma_wait3A = arith.constant 9984 : i32
          %dma_wait3A_77 = arith.constant 0 : i32
          %dma_wait3A_78 = tpu.memref_slice %arg11[%dma_wait3A, %dma_wait3A_77] : memref<10008x128xf32, #tpu.memory_space<hbm>> -> memref<24x128xf32, #tpu.memory_space<hbm>>
          %dma_wait3A_79 = arith.constant 9984 : i32
          %dma_wait3A_80 = arith.constant 0 : i32
          %dma_wait3A_81 = tpu.memref_slice %arg14[%dma_wait3A_79, %dma_wait3A_80] : memref<10008x128xf32, #tpu.memory_space<vmem_shared>> -> memref<24x128xf32, #tpu.memory_space<vmem_shared>>
          tpu.wait_dma2 semaphore(%run_scoped3A : memref<!tpu.dma_semaphore, #tpu.memory_space<semaphore_mem>>) src(%dma_wait3A_81 : memref<24x128xf32, #tpu.memory_space<vmem_shared>>) dst(%dma_wait3A_78 : memref<24x128xf32, #tpu.memory_space<hbm>>)
          tpu.yield
        }) : () -> ()
      } else {
      }
    } else {
    }
    %barrier3A_36 = arith.constant 0 : index
    tpu.barrier barrier_id(%barrier3A_36)
    %mul3A_37 = arith.constant 624 : i32
    %mul3A_38 = arith.muli %arg1, %mul3A_37 : i32
    %mul3A_39 = arith.constant 624 : i32
    %mul3A_40 = arith.muli %arg1, %mul3A_39 : i32
    "tpu.region"() ({
      %run_scoped3A = tpu.sem_alloc : memref<!tpu.dma_semaphore, #tpu.memory_space<semaphore_mem>>
      %dma_start3A = arith.constant 0 : i32
      %dma_start3A_63 = tpu.memref_slice %arg14[%mul3A_40, %dma_start3A] : memref<10008x128xf32, #tpu.memory_space<vmem_shared>> -> memref<624x128xf32, #tpu.memory_space<vmem_shared>>
      %dma_start3A_64 = arith.constant 0 : i32
      %dma_start3A_65 = tpu.memref_slice %arg8[%mul3A_38, %dma_start3A_64] : memref<10008x128xf32, #tpu.memory_space<hbm>> -> memref<624x128xf32, #tpu.memory_space<hbm>>
      tpu.enqueue_dma source(%dma_start3A_65 : memref<624x128xf32, #tpu.memory_space<hbm>>) target(%dma_start3A_63 : memref<624x128xf32, #tpu.memory_space<vmem_shared>>) target_semaphore(%run_scoped3A : memref<!tpu.dma_semaphore, #tpu.memory_space<semaphore_mem>>)
      %dma_wait3A = arith.constant 0 : i32
      %dma_wait3A_66 = tpu.memref_slice %arg14[%mul3A_40, %dma_wait3A] : memref<10008x128xf32, #tpu.memory_space<vmem_shared>> -> memref<624x128xf32, #tpu.memory_space<vmem_shared>>
      %dma_wait3A_67 = arith.constant 0 : i32
      %dma_wait3A_68 = tpu.memref_slice %arg8[%mul3A_38, %dma_wait3A_67] : memref<10008x128xf32, #tpu.memory_space<hbm>> -> memref<624x128xf32, #tpu.memory_space<hbm>>
      tpu.wait_dma2 semaphore(%run_scoped3A : memref<!tpu.dma_semaphore, #tpu.memory_space<semaphore_mem>>) src(%dma_wait3A_68 : memref<624x128xf32, #tpu.memory_space<hbm>>) dst(%dma_wait3A_66 : memref<624x128xf32, #tpu.memory_space<vmem_shared>>)
      tpu.yield
    }) : () -> ()
    %eq3A_41 = arith.constant 0 : i32
    %eq3A_42 = arith.cmpi eq, %arg1, %eq3A_41 : i32
    %convert_element_type3A_43 = arith.extui %eq3A_42 : i1 to i32
    %cond3A_44 = arith.constant 0 : i32
    %cond3A_45 = arith.cmpi ne, %convert_element_type3A_43, %cond3A_44 : i32
    scf.if %cond3A_45 {
      "tpu.region"() ({
        %run_scoped3A = tpu.sem_alloc : memref<!tpu.dma_semaphore, #tpu.memory_space<semaphore_mem>>
        %dma_start3A = arith.constant 9984 : i32
        %dma_start3A_63 = arith.constant 0 : i32
        %dma_start3A_64 = tpu.memref_slice %arg14[%dma_start3A, %dma_start3A_63] : memref<10008x128xf32, #tpu.memory_space<vmem_shared>> -> memref<24x128xf32, #tpu.memory_space<vmem_shared>>
        %dma_start3A_65 = arith.constant 9984 : i32
        %dma_start3A_66 = arith.constant 0 : i32
        %dma_start3A_67 = tpu.memref_slice %arg8[%dma_start3A_65, %dma_start3A_66] : memref<10008x128xf32, #tpu.memory_space<hbm>> -> memref<24x128xf32, #tpu.memory_space<hbm>>
        tpu.enqueue_dma source(%dma_start3A_67 : memref<24x128xf32, #tpu.memory_space<hbm>>) target(%dma_start3A_64 : memref<24x128xf32, #tpu.memory_space<vmem_shared>>) target_semaphore(%run_scoped3A : memref<!tpu.dma_semaphore, #tpu.memory_space<semaphore_mem>>)
        %dma_wait3A = arith.constant 9984 : i32
        %dma_wait3A_68 = arith.constant 0 : i32
        %dma_wait3A_69 = tpu.memref_slice %arg14[%dma_wait3A, %dma_wait3A_68] : memref<10008x128xf32, #tpu.memory_space<vmem_shared>> -> memref<24x128xf32, #tpu.memory_space<vmem_shared>>
        %dma_wait3A_70 = arith.constant 9984 : i32
        %dma_wait3A_71 = arith.constant 0 : i32
        %dma_wait3A_72 = tpu.memref_slice %arg8[%dma_wait3A_70, %dma_wait3A_71] : memref<10008x128xf32, #tpu.memory_space<hbm>> -> memref<24x128xf32, #tpu.memory_space<hbm>>
        tpu.wait_dma2 semaphore(%run_scoped3A : memref<!tpu.dma_semaphore, #tpu.memory_space<semaphore_mem>>) src(%dma_wait3A_72 : memref<24x128xf32, #tpu.memory_space<hbm>>) dst(%dma_wait3A_69 : memref<24x128xf32, #tpu.memory_space<vmem_shared>>)
        tpu.yield
      }) : () -> ()
    } else {
    }
    "tpu.region"() ({
      %run_scoped3A = tpu.sem_alloc : memref<!tpu.dma_semaphore, #tpu.memory_space<semaphore_mem>>
      tpu.enqueue_dma source(%arg9 : memref<128x128xf32, #tpu.memory_space<hbm>>) target(%arg17 : memref<128x128xf32, #tpu.memory_space<vmem>>) target_semaphore(%run_scoped3A : memref<!tpu.dma_semaphore, #tpu.memory_space<semaphore_mem>>)
      tpu.wait_dma2 semaphore(%run_scoped3A : memref<!tpu.dma_semaphore, #tpu.memory_space<semaphore_mem>>) src(%arg9 : memref<128x128xf32, #tpu.memory_space<hbm>>) dst(%arg17 : memref<128x128xf32, #tpu.memory_space<vmem>>)
      tpu.yield
    }) : () -> ()
    %barrier3A_46 = arith.constant 0 : index
    tpu.barrier barrier_id(%barrier3A_46)
    %scan3A = arith.constant 0 : i32
    %scan3A_47 = arith.constant 0 : i32
    %scan3A_48 = arith.constant 79 : i32
    %scan3A_49 = arith.addi %scan3A_47, %scan3A_48 : i32
    %scan3A_50 = arith.constant 1 : i32
    scf.for %scan3A_63 = %scan3A_47 to %scan3A_49 step %scan3A_50  : i32 {
      "tpu.region"() ({
        %run_scoped3A = tpu.sem_alloc : memref<!tpu.dma_semaphore, #tpu.memory_space<semaphore_mem>>
        %dma_start3A = arith.constant 0 : i32
        %dma_start3A_64 = tpu.memref_slice %arg16[%scan3A_63, %dma_start3A] : memref<79x128xi32, #tpu.memory_space<vmem>> -> memref<1x128xi32, #tpu.memory_space<vmem>>
        %dma_start3A_65 = tpu.memref_squeeze %dma_start3A_64 : memref<1x128xi32, #tpu.memory_space<vmem>> -> memref<128xi32, #tpu.memory_space<vmem>>
        %dma_start3A_66 = arith.constant 0 : i32
        %dma_start3A_67 = arith.constant 0 : i32
        %dma_start3A_68 = tpu.memref_slice %arg14[%dma_start3A_66, %dma_start3A_67] : memref<10008x128xf32, #tpu.memory_space<vmem_shared>> -> memref<10008x128xf32, #tpu.memory_space<vmem_shared>>
        tpu.enqueue_indirect_dma source(%arg17 : memref<128x128xf32, #tpu.memory_space<vmem>>) target(%dma_start3A_68 : memref<10008x128xf32, #tpu.memory_space<vmem_shared>>) offsets(%dma_start3A_65 : memref<128xi32, #tpu.memory_space<vmem>>) semaphore(%run_scoped3A : memref<!tpu.dma_semaphore, #tpu.memory_space<semaphore_mem>>) {add = true}
        %dma_wait3A = arith.constant 0 : i32
        %dma_wait3A_69 = tpu.memref_slice %arg16[%scan3A_63, %dma_wait3A] : memref<79x128xi32, #tpu.memory_space<vmem>> -> memref<1x128xi32, #tpu.memory_space<vmem>>
        %dma_wait3A_70 = tpu.memref_squeeze %dma_wait3A_69 : memref<1x128xi32, #tpu.memory_space<vmem>> -> memref<128xi32, #tpu.memory_space<vmem>>
        %dma_wait3A_71 = arith.constant 0 : i32
        %dma_wait3A_72 = arith.constant 0 : i32
        %dma_wait3A_73 = tpu.memref_slice %arg14[%dma_wait3A_71, %dma_wait3A_72] : memref<10008x128xf32, #tpu.memory_space<vmem_shared>> -> memref<10008x128xf32, #tpu.memory_space<vmem_shared>>
        tpu.wait_indirect_dma semaphore(%run_scoped3A : memref<!tpu.dma_semaphore, #tpu.memory_space<semaphore_mem>>) src(%arg17 : memref<128x128xf32, #tpu.memory_space<vmem>>) dst(%dma_wait3A_73 : memref<10008x128xf32, #tpu.memory_space<vmem_shared>>)
        tpu.yield
      }) : () -> ()
    }
    %scan3A_51 = arith.constant 79 : i32
    %barrier3A_52 = arith.constant 0 : index
    tpu.barrier barrier_id(%barrier3A_52)
    %eq3A_53 = arith.constant 0 : i32
    %eq3A_54 = arith.cmpi eq, %arg0, %eq3A_53 : i32
    %convert_element_type3A_55 = arith.extui %eq3A_54 : i1 to i32
    %cond3A_56 = arith.constant 0 : i32
    %cond3A_57 = arith.cmpi ne, %convert_element_type3A_55, %cond3A_56 : i32
    scf.if %cond3A_57 {
      %mul3A_63 = arith.constant 624 : i32
      %mul3A_64 = arith.muli %arg1, %mul3A_63 : i32
      %mul3A_65 = arith.constant 624 : i32
      %mul3A_66 = arith.muli %arg1, %mul3A_65 : i32
      "tpu.region"() ({
        %run_scoped3A = tpu.sem_alloc : memref<!tpu.dma_semaphore, #tpu.memory_space<semaphore_mem>>
        %dma_start3A = arith.constant 0 : i32
        %dma_start3A_72 = tpu.memref_slice %arg12[%mul3A_66, %dma_start3A] : memref<10008x128xf32, #tpu.memory_space<hbm>> -> memref<624x128xf32, #tpu.memory_space<hbm>>
        %dma_start3A_73 = arith.constant 0 : i32
        %dma_start3A_74 = tpu.memref_slice %arg14[%mul3A_64, %dma_start3A_73] : memref<10008x128xf32, #tpu.memory_space<vmem_shared>> -> memref<624x128xf32, #tpu.memory_space<vmem_shared>>
        tpu.enqueue_dma source(%dma_start3A_74 : memref<624x128xf32, #tpu.memory_space<vmem_shared>>) target(%dma_start3A_72 : memref<624x128xf32, #tpu.memory_space<hbm>>) target_semaphore(%run_scoped3A : memref<!tpu.dma_semaphore, #tpu.memory_space<semaphore_mem>>)
        %dma_wait3A = arith.constant 0 : i32
        %dma_wait3A_75 = tpu.memref_slice %arg12[%mul3A_66, %dma_wait3A] : memref<10008x128xf32, #tpu.memory_space<hbm>> -> memref<624x128xf32, #tpu.memory_space<hbm>>
        %dma_wait3A_76 = arith.constant 0 : i32
        %dma_wait3A_77 = tpu.memref_slice %arg14[%mul3A_64, %dma_wait3A_76] : memref<10008x128xf32, #tpu.memory_space<vmem_shared>> -> memref<624x128xf32, #tpu.memory_space<vmem_shared>>
        tpu.wait_dma2 semaphore(%run_scoped3A : memref<!tpu.dma_semaphore, #tpu.memory_space<semaphore_mem>>) src(%dma_wait3A_77 : memref<624x128xf32, #tpu.memory_space<vmem_shared>>) dst(%dma_wait3A_75 : memref<624x128xf32, #tpu.memory_space<hbm>>)
        tpu.yield
      }) : () -> ()
      %eq3A_67 = arith.constant 0 : i32
      %eq3A_68 = arith.cmpi eq, %arg1, %eq3A_67 : i32
      %convert_element_type3A_69 = arith.extui %eq3A_68 : i1 to i32
      %cond3A_70 = arith.constant 0 : i32
      %cond3A_71 = arith.cmpi ne, %convert_element_type3A_69, %cond3A_70 : i32
      scf.if %cond3A_71 {
        "tpu.region"() ({
          %run_scoped3A = tpu.sem_alloc : memref<!tpu.dma_semaphore, #tpu.memory_space<semaphore_mem>>
          %dma_start3A = arith.constant 9984 : i32
          %dma_start3A_72 = arith.constant 0 : i32
          %dma_start3A_73 = tpu.memref_slice %arg12[%dma_start3A, %dma_start3A_72] : memref<10008x128xf32, #tpu.memory_space<hbm>> -> memref<24x128xf32, #tpu.memory_space<hbm>>
          %dma_start3A_74 = arith.constant 9984 : i32
          %dma_start3A_75 = arith.constant 0 : i32
          %dma_start3A_76 = tpu.memref_slice %arg14[%dma_start3A_74, %dma_start3A_75] : memref<10008x128xf32, #tpu.memory_space<vmem_shared>> -> memref<24x128xf32, #tpu.memory_space<vmem_shared>>
          tpu.enqueue_dma source(%dma_start3A_76 : memref<24x128xf32, #tpu.memory_space<vmem_shared>>) target(%dma_start3A_73 : memref<24x128xf32, #tpu.memory_space<hbm>>) target_semaphore(%run_scoped3A : memref<!tpu.dma_semaphore, #tpu.memory_space<semaphore_mem>>)
          %dma_wait3A = arith.constant 9984 : i32
          %dma_wait3A_77 = arith.constant 0 : i32
          %dma_wait3A_78 = tpu.memref_slice %arg12[%dma_wait3A, %dma_wait3A_77] : memref<10008x128xf32, #tpu.memory_space<hbm>> -> memref<24x128xf32, #tpu.memory_space<hbm>>
          %dma_wait3A_79 = arith.constant 9984 : i32
          %dma_wait3A_80 = arith.constant 0 : i32
          %dma_wait3A_81 = tpu.memref_slice %arg14[%dma_wait3A_79, %dma_wait3A_80] : memref<10008x128xf32, #tpu.memory_space<vmem_shared>> -> memref<24x128xf32, #tpu.memory_space<vmem_shared>>
          tpu.wait_dma2 semaphore(%run_scoped3A : memref<!tpu.dma_semaphore, #tpu.memory_space<semaphore_mem>>) src(%dma_wait3A_81 : memref<24x128xf32, #tpu.memory_space<vmem_shared>>) dst(%dma_wait3A_78 : memref<24x128xf32, #tpu.memory_space<hbm>>)
          tpu.yield
        }) : () -> ()
      } else {
      }
    } else {
    }
    %eq3A_58 = arith.constant 1 : i32
    %eq3A_59 = arith.cmpi eq, %arg0, %eq3A_58 : i32
    %convert_element_type3A_60 = arith.extui %eq3A_59 : i1 to i32
    %cond3A_61 = arith.constant 0 : i32
    %cond3A_62 = arith.cmpi ne, %convert_element_type3A_60, %cond3A_61 : i32
    scf.if %cond3A_62 {
      %mul3A_63 = arith.constant 624 : i32
      %mul3A_64 = arith.muli %arg1, %mul3A_63 : i32
      %mul3A_65 = arith.constant 624 : i32
      %mul3A_66 = arith.muli %arg1, %mul3A_65 : i32
      "tpu.region"() ({
        %run_scoped3A = tpu.sem_alloc : memref<!tpu.dma_semaphore, #tpu.memory_space<semaphore_mem>>
        %dma_start3A = arith.constant 0 : i32
        %dma_start3A_72 = tpu.memref_slice %arg13[%mul3A_66, %dma_start3A] : memref<10008x128xf32, #tpu.memory_space<hbm>> -> memref<624x128xf32, #tpu.memory_space<hbm>>
        %dma_start3A_73 = arith.constant 0 : i32
        %dma_start3A_74 = tpu.memref_slice %arg14[%mul3A_64, %dma_start3A_73] : memref<10008x128xf32, #tpu.memory_space<vmem_shared>> -> memref<624x128xf32, #tpu.memory_space<vmem_shared>>
        tpu.enqueue_dma source(%dma_start3A_74 : memref<624x128xf32, #tpu.memory_space<vmem_shared>>) target(%dma_start3A_72 : memref<624x128xf32, #tpu.memory_space<hbm>>) target_semaphore(%run_scoped3A : memref<!tpu.dma_semaphore, #tpu.memory_space<semaphore_mem>>)
        %dma_wait3A = arith.constant 0 : i32
        %dma_wait3A_75 = tpu.memref_slice %arg13[%mul3A_66, %dma_wait3A] : memref<10008x128xf32, #tpu.memory_space<hbm>> -> memref<624x128xf32, #tpu.memory_space<hbm>>
        %dma_wait3A_76 = arith.constant 0 : i32
        %dma_wait3A_77 = tpu.memref_slice %arg14[%mul3A_64, %dma_wait3A_76] : memref<10008x128xf32, #tpu.memory_space<vmem_shared>> -> memref<624x128xf32, #tpu.memory_space<vmem_shared>>
        tpu.wait_dma2 semaphore(%run_scoped3A : memref<!tpu.dma_semaphore, #tpu.memory_space<semaphore_mem>>) src(%dma_wait3A_77 : memref<624x128xf32, #tpu.memory_space<vmem_shared>>) dst(%dma_wait3A_75 : memref<624x128xf32, #tpu.memory_space<hbm>>)
        tpu.yield
      }) : () -> ()
      %eq3A_67 = arith.constant 0 : i32
      %eq3A_68 = arith.cmpi eq, %arg1, %eq3A_67 : i32
      %convert_element_type3A_69 = arith.extui %eq3A_68 : i1 to i32
      %cond3A_70 = arith.constant 0 : i32
      %cond3A_71 = arith.cmpi ne, %convert_element_type3A_69, %cond3A_70 : i32
      scf.if %cond3A_71 {
        "tpu.region"() ({
          %run_scoped3A = tpu.sem_alloc : memref<!tpu.dma_semaphore, #tpu.memory_space<semaphore_mem>>
          %dma_start3A = arith.constant 9984 : i32
          %dma_start3A_72 = arith.constant 0 : i32
          %dma_start3A_73 = tpu.memref_slice %arg13[%dma_start3A, %dma_start3A_72] : memref<10008x128xf32, #tpu.memory_space<hbm>> -> memref<24x128xf32, #tpu.memory_space<hbm>>
          %dma_start3A_74 = arith.constant 9984 : i32
          %dma_start3A_75 = arith.constant 0 : i32
          %dma_start3A_76 = tpu.memref_slice %arg14[%dma_start3A_74, %dma_start3A_75] : memref<10008x128xf32, #tpu.memory_space<vmem_shared>> -> memref<24x128xf32, #tpu.memory_space<vmem_shared>>
          tpu.enqueue_dma source(%dma_start3A_76 : memref<24x128xf32, #tpu.memory_space<vmem_shared>>) target(%dma_start3A_73 : memref<24x128xf32, #tpu.memory_space<hbm>>) target_semaphore(%run_scoped3A : memref<!tpu.dma_semaphore, #tpu.memory_space<semaphore_mem>>)
          %dma_wait3A = arith.constant 9984 : i32
          %dma_wait3A_77 = arith.constant 0 : i32
          %dma_wait3A_78 = tpu.memref_slice %arg13[%dma_wait3A, %dma_wait3A_77] : memref<10008x128xf32, #tpu.memory_space<hbm>> -> memref<24x128xf32, #tpu.memory_space<hbm>>
          %dma_wait3A_79 = arith.constant 9984 : i32
          %dma_wait3A_80 = arith.constant 0 : i32
          %dma_wait3A_81 = tpu.memref_slice %arg14[%dma_wait3A_79, %dma_wait3A_80] : memref<10008x128xf32, #tpu.memory_space<vmem_shared>> -> memref<24x128xf32, #tpu.memory_space<vmem_shared>>
          tpu.wait_dma2 semaphore(%run_scoped3A : memref<!tpu.dma_semaphore, #tpu.memory_space<semaphore_mem>>) src(%dma_wait3A_81 : memref<24x128xf32, #tpu.memory_space<vmem_shared>>) dst(%dma_wait3A_78 : memref<24x128xf32, #tpu.memory_space<hbm>>)
          tpu.yield
        }) : () -> ()
      } else {
      }
    } else {
    }
    return
  }
}

module attributes {stable_mosaic.version = 14 : i64} {
  func.func @_tables_body(%arg0: i32, %arg1: memref<2000x128xf32, #tpu.memory_space<vmem>>, %arg2: memref<128x512xf32, #tpu.memory_space<vmem>>, %arg3: memref<128x512xf32, #tpu.memory_space<vmem>>, %arg4: memref<128x128xf32, #tpu.memory_space<vmem>>, %arg5: memref<2000x512xf32, #tpu.memory_space<vmem>>, %arg6: memref<2000x512xf32, #tpu.memory_space<vmem>>, %arg7: memref<2000x128xf32, #tpu.memory_space<vmem>>) attributes {dimension_semantics = [#tpu.dimension_semantics<arbitrary>], iteration_bounds = array<i64: 5>, scalar_prefetch = 0 : i64, scratch_operands = 0 : i64, tpu.core_type = #tpu.core_type<tc>, window_params = [{transform_indices = @transform_0, window_bounds = array<i64: 2000, 128>}, {pipeline_mode = #tpu.pipeline_mode<synchronous>, transform_indices = @transform_1, window_bounds = array<i64: 128, 512>}, {pipeline_mode = #tpu.pipeline_mode<synchronous>, transform_indices = @transform_2, window_bounds = array<i64: 128, 512>}, {pipeline_mode = #tpu.pipeline_mode<synchronous>, transform_indices = @transform_3, window_bounds = array<i64: 128, 128>}, {transform_indices = @transform_4, window_bounds = array<i64: 2000, 512>}, {transform_indices = @transform_5, window_bounds = array<i64: 2000, 512>}, {transform_indices = @transform_6, window_bounds = array<i64: 2000, 128>}]} {
    %get3A = arith.constant 0 : index
    %get3A_0 = arith.constant 0 : index
    %get3A_1 = vector.load %arg1[%get3A, %get3A_0] : memref<2000x128xf32, #tpu.memory_space<vmem>>, vector<2000x128xf32>
    %get3A_2 = arith.constant 0 : index
    %get3A_3 = arith.constant 0 : index
    %get3A_4 = vector.load %arg2[%get3A_2, %get3A_3] : memref<128x512xf32, #tpu.memory_space<vmem>>, vector<128x512xf32>
    %dot_general3A = arith.constant dense<0.000000e+00> : vector<2000x512xf32>
    %dot_general3A_5 = tpu.matmul %get3A_1, %get3A_4, %dot_general3A {dimension_numbers = #tpu.dot_dimension_numbers<[1], [0], [0], [1], [0, 0, 1, 1], [], []>, transpose_lhs_hint = false} : vector<2000x128xf32>, vector<128x512xf32>, vector<2000x512xf32> -> vector<2000x512xf32>
    %swap3A = arith.constant 0 : index
    %swap3A_6 = arith.constant 0 : index
    %swap3A_7 = vector.load %arg5[%swap3A, %swap3A_6] : memref<2000x512xf32, #tpu.memory_space<vmem>>, vector<2000x512xf32>
    tpu.vector_store %arg5[%swap3A, %swap3A_6], %dot_general3A_5 {strides = array<i32>} : memref<2000x512xf32, #tpu.memory_space<vmem>>, vector<2000x512xf32>,
    %get3A_8 = arith.constant 0 : index
    %get3A_9 = arith.constant 0 : index
    %get3A_10 = vector.load %arg3[%get3A_8, %get3A_9] : memref<128x512xf32, #tpu.memory_space<vmem>>, vector<128x512xf32>
    %dot_general3A_11 = arith.constant dense<0.000000e+00> : vector<2000x512xf32>
    %dot_general3A_12 = tpu.matmul %get3A_1, %get3A_10, %dot_general3A_11 {dimension_numbers = #tpu.dot_dimension_numbers<[1], [0], [0], [1], [0, 0, 1, 1], [], []>, transpose_lhs_hint = false} : vector<2000x128xf32>, vector<128x512xf32>, vector<2000x512xf32> -> vector<2000x512xf32>
    %swap3A_13 = arith.constant 0 : index
    %swap3A_14 = arith.constant 0 : index
    %swap3A_15 = vector.load %arg6[%swap3A_13, %swap3A_14] : memref<2000x512xf32, #tpu.memory_space<vmem>>, vector<2000x512xf32>
    tpu.vector_store %arg6[%swap3A_13, %swap3A_14], %dot_general3A_12 {strides = array<i32>} : memref<2000x512xf32, #tpu.memory_space<vmem>>, vector<2000x512xf32>,
    %get3A_16 = arith.constant 0 : index
    %get3A_17 = arith.constant 0 : index
    %get3A_18 = vector.load %arg4[%get3A_16, %get3A_17] : memref<128x128xf32, #tpu.memory_space<vmem>>, vector<128x128xf32>
    %dot_general3A_19 = arith.constant dense<0.000000e+00> : vector<2000x128xf32>
    %dot_general3A_20 = tpu.matmul %get3A_1, %get3A_18, %dot_general3A_19 {dimension_numbers = #tpu.dot_dimension_numbers<[1], [0], [0], [1], [0, 0, 1, 1], [], []>, transpose_lhs_hint = false} : vector<2000x128xf32>, vector<128x128xf32>, vector<2000x128xf32> -> vector<2000x128xf32>
    %add3A = arith.addf %dot_general3A_20, %dot_general3A_20 : vector<2000x128xf32>
    %swap3A_21 = arith.constant 0 : index
    %swap3A_22 = arith.constant 0 : index
    %swap3A_23 = vector.load %arg7[%swap3A_21, %swap3A_22] : memref<2000x128xf32, #tpu.memory_space<vmem>>, vector<2000x128xf32>
    tpu.vector_store %arg7[%swap3A_21, %swap3A_22], %add3A {strides = array<i32>} : memref<2000x128xf32, #tpu.memory_space<vmem>>, vector<2000x128xf32>,
    return
  }
  func.func @transform_0(%arg0: i32) -> (i32, i32) {
    %c0_i32 = arith.constant 0 : i32
    %c0_i32_0 = arith.constant 0 : i32
    return %arg0, %c0_i32 : i32, i32
  }
  func.func @transform_1(%arg0: i32) -> (i32, i32) {
    %c0_i32 = arith.constant 0 : i32
    %c0_i32_0 = arith.constant 0 : i32
    %c0_i32_1 = arith.constant 0 : i32
    return %c0_i32, %c0_i32_0 : i32, i32
  }
  func.func @transform_2(%arg0: i32) -> (i32, i32) {
    %c0_i32 = arith.constant 0 : i32
    %c0_i32_0 = arith.constant 0 : i32
    %c0_i32_1 = arith.constant 0 : i32
    return %c0_i32, %c0_i32_0 : i32, i32
  }
  func.func @transform_3(%arg0: i32) -> (i32, i32) {
    %c0_i32 = arith.constant 0 : i32
    %c0_i32_0 = arith.constant 0 : i32
    %c0_i32_1 = arith.constant 0 : i32
    return %c0_i32, %c0_i32_0 : i32, i32
  }
  func.func @transform_4(%arg0: i32) -> (i32, i32) {
    %c0_i32 = arith.constant 0 : i32
    %c0_i32_0 = arith.constant 0 : i32
    return %arg0, %c0_i32 : i32, i32
  }
  func.func @transform_5(%arg0: i32) -> (i32, i32) {
    %c0_i32 = arith.constant 0 : i32
    %c0_i32_0 = arith.constant 0 : i32
    return %arg0, %c0_i32 : i32, i32
  }
  func.func @transform_6(%arg0: i32) -> (i32, i32) {
    %c0_i32 = arith.constant 0 : i32
    %c0_i32_0 = arith.constant 0 : i32
    return %arg0, %c0_i32 : i32, i32
  }
}

module attributes {stable_mosaic.version = 14 : i64} {
  func.func @_combine_body(%arg0: i32, %arg1: memref<2000x128xf32, #tpu.memory_space<vmem>>, %arg2: memref<2000x128xf32, #tpu.memory_space<vmem>>, %arg3: memref<2000x128xf32, #tpu.memory_space<vmem>>, %arg4: memref<2000x128xf32, #tpu.memory_space<vmem>>, %arg5: memref<2000x128xf32, #tpu.memory_space<vmem>>, %arg6: memref<1x128xf32, #tpu.memory_space<vmem>>, %arg7: memref<1x128xf32, #tpu.memory_space<vmem>>, %arg8: memref<1x128xf32, #tpu.memory_space<vmem>>, %arg9: memref<2000x128xf32, #tpu.memory_space<vmem>>) attributes {dimension_semantics = [#tpu.dimension_semantics<arbitrary>], iteration_bounds = array<i64: 5>, scalar_prefetch = 0 : i64, scratch_operands = 0 : i64, tpu.core_type = #tpu.core_type<tc>, window_params = [{transform_indices = @transform_0, window_bounds = array<i64: 2000, 128>}, {transform_indices = @transform_1, window_bounds = array<i64: 2000, 128>}, {transform_indices = @transform_2, window_bounds = array<i64: 2000, 128>}, {transform_indices = @transform_3, window_bounds = array<i64: 2000, 128>}, {transform_indices = @transform_4, window_bounds = array<i64: 2000, 128>}, {pipeline_mode = #tpu.pipeline_mode<synchronous>, transform_indices = @transform_5, window_bounds = array<i64: 1, 128>}, {pipeline_mode = #tpu.pipeline_mode<synchronous>, transform_indices = @transform_6, window_bounds = array<i64: 1, 128>}, {pipeline_mode = #tpu.pipeline_mode<synchronous>, transform_indices = @transform_7, window_bounds = array<i64: 1, 128>}, {transform_indices = @transform_8, window_bounds = array<i64: 2000, 128>}]} {
    %get3A = arith.constant 0 : index
    %get3A_0 = arith.constant 0 : index
    %get3A_1 = vector.load %arg4[%get3A, %get3A_0] : memref<2000x128xf32, #tpu.memory_space<vmem>>, vector<2000x1xf32>
    %get3A_2 = arith.constant 0 : index
    %get3A_3 = arith.constant 0 : index
    %get3A_4 = vector.load %arg5[%get3A_2, %get3A_3] : memref<2000x128xf32, #tpu.memory_space<vmem>>, vector<2000x1xf32>
    %gt3A = arith.constant 0.000000e+00 : f32
    %gt3A_5 = vector.broadcast %gt3A : f32 to vector<2000x1xf32>
    %gt3A_6 = arith.cmpf ogt, %get3A_1, %gt3A_5 : vector<2000x1xf32>
    %max3A = arith.constant 1.000000e+00 : f32
    %max3A_7 = vector.broadcast %max3A : f32 to vector<2000x1xf32>
    %max3A_8 = arith.maximumf %get3A_1, %max3A_7 : vector<2000x1xf32>
    %div3A = arith.constant 1.000000e+00 : f32
    %div3A_9 = vector.broadcast %div3A : f32 to vector<2000x1xf32>
    %div3A_10 = arith.divf %div3A_9, %max3A_8 : vector<2000x1xf32>
    %jit3A = arith.constant 0.000000e+00 : f32
    %broadcast_in_dim3A = vector.broadcast %jit3A : f32 to vector<2000x1xf32>
    %select_n3A = arith.select %gt3A_6, %div3A_10, %broadcast_in_dim3A : vector<2000x1xi1>, vector<2000x1xf32>
    %gt3A_11 = arith.constant 0.000000e+00 : f32
    %gt3A_12 = vector.broadcast %gt3A_11 : f32 to vector<2000x1xf32>
    %gt3A_13 = arith.cmpf ogt, %get3A_4, %gt3A_12 : vector<2000x1xf32>
    %max3A_14 = arith.constant 1.000000e+00 : f32
    %max3A_15 = vector.broadcast %max3A_14 : f32 to vector<2000x1xf32>
    %max3A_16 = arith.maximumf %get3A_4, %max3A_15 : vector<2000x1xf32>
    %div3A_17 = arith.constant 1.000000e+00 : f32
    %div3A_18 = vector.broadcast %div3A_17 : f32 to vector<2000x1xf32>
    %div3A_19 = arith.divf %div3A_18, %max3A_16 : vector<2000x1xf32>
    %jit3A_20 = arith.constant 0.000000e+00 : f32
    %broadcast_in_dim3A_21 = vector.broadcast %jit3A_20 : f32 to vector<2000x1xf32>
    %select_n3A_22 = arith.select %gt3A_13, %div3A_19, %broadcast_in_dim3A_21 : vector<2000x1xi1>, vector<2000x1xf32>
    %gt3A_23 = arith.constant 0.000000e+00 : f32
    %gt3A_24 = vector.broadcast %gt3A_23 : f32 to vector<2000x1xf32>
    %gt3A_25 = arith.cmpf ogt, %get3A_1, %gt3A_24 : vector<2000x1xf32>
    %jit3A_26 = arith.constant 1.000000e+00 : f32
    %jit3A_27 = arith.constant 0.000000e+00 : f32
    %broadcast_in_dim3A_28 = vector.broadcast %jit3A_26 : f32 to vector<2000x1xf32>
    %broadcast_in_dim3A_29 = vector.broadcast %jit3A_27 : f32 to vector<2000x1xf32>
    %select_n3A_30 = arith.select %gt3A_25, %broadcast_in_dim3A_28, %broadcast_in_dim3A_29 : vector<2000x1xi1>, vector<2000x1xf32>
    %gt3A_31 = arith.constant 0.000000e+00 : f32
    %gt3A_32 = vector.broadcast %gt3A_31 : f32 to vector<2000x1xf32>
    %gt3A_33 = arith.cmpf ogt, %get3A_4, %gt3A_32 : vector<2000x1xf32>
    %jit3A_34 = arith.constant 1.000000e+00 : f32
    %jit3A_35 = arith.constant 0.000000e+00 : f32
    %broadcast_in_dim3A_36 = vector.broadcast %jit3A_34 : f32 to vector<2000x1xf32>
    %broadcast_in_dim3A_37 = vector.broadcast %jit3A_35 : f32 to vector<2000x1xf32>
    %select_n3A_38 = arith.select %gt3A_33, %broadcast_in_dim3A_36, %broadcast_in_dim3A_37 : vector<2000x1xi1>, vector<2000x1xf32>
    %get3A_39 = arith.constant 0 : index
    %get3A_40 = arith.constant 0 : index
    %get3A_41 = vector.load %arg1[%get3A_39, %get3A_40] : memref<2000x128xf32, #tpu.memory_space<vmem>>, vector<2000x128xf32>
    %get3A_42 = arith.constant 0 : index
    %get3A_43 = arith.constant 0 : index
    %get3A_44 = vector.load %arg8[%get3A_42, %get3A_43] : memref<1x128xf32, #tpu.memory_space<vmem>>, vector<1x128xf32>
    %add3A = vector.broadcast %get3A_44 : vector<1x128xf32> to vector<2000x128xf32>
    %add3A_45 = arith.addf %get3A_41, %add3A : vector<2000x128xf32>
    %get3A_46 = arith.constant 0 : index
    %get3A_47 = arith.constant 0 : index
    %get3A_48 = vector.load %arg2[%get3A_46, %get3A_47] : memref<2000x128xf32, #tpu.memory_space<vmem>>, vector<2000x128xf32>
    %mul3A = vector.broadcast %select_n3A : vector<2000x1xf32> to vector<2000x128xf32>
    %mul3A_49 = arith.mulf %get3A_48, %mul3A : vector<2000x128xf32>
    %add3A_50 = arith.addf %add3A_45, %mul3A_49 : vector<2000x128xf32>
    %get3A_51 = arith.constant 0 : index
    %get3A_52 = arith.constant 0 : index
    %get3A_53 = vector.load %arg6[%get3A_51, %get3A_52] : memref<1x128xf32, #tpu.memory_space<vmem>>, vector<1x128xf32>
    %mul3A_54 = vector.broadcast %select_n3A_30 : vector<2000x1xf32> to vector<2000x128xf32>
    %mul3A_55 = vector.broadcast %get3A_53 : vector<1x128xf32> to vector<2000x128xf32>
    %mul3A_56 = arith.mulf %mul3A_54, %mul3A_55 : vector<2000x128xf32>
    %add3A_57 = arith.addf %add3A_50, %mul3A_56 : vector<2000x128xf32>
    %get3A_58 = arith.constant 0 : index
    %get3A_59 = arith.constant 0 : index
    %get3A_60 = vector.load %arg3[%get3A_58, %get3A_59] : memref<2000x128xf32, #tpu.memory_space<vmem>>, vector<2000x128xf32>
    %mul3A_61 = vector.broadcast %select_n3A_22 : vector<2000x1xf32> to vector<2000x128xf32>
    %mul3A_62 = arith.mulf %get3A_60, %mul3A_61 : vector<2000x128xf32>
    %add3A_63 = arith.addf %add3A_57, %mul3A_62 : vector<2000x128xf32>
    %get3A_64 = arith.constant 0 : index
    %get3A_65 = arith.constant 0 : index
    %get3A_66 = vector.load %arg7[%get3A_64, %get3A_65] : memref<1x128xf32, #tpu.memory_space<vmem>>, vector<1x128xf32>
    %mul3A_67 = vector.broadcast %select_n3A_38 : vector<2000x1xf32> to vector<2000x128xf32>
    %mul3A_68 = vector.broadcast %get3A_66 : vector<1x128xf32> to vector<2000x128xf32>
    %mul3A_69 = arith.mulf %mul3A_67, %mul3A_68 : vector<2000x128xf32>
    %add3A_70 = arith.addf %add3A_63, %mul3A_69 : vector<2000x128xf32>
    %swap3A = arith.constant 0 : index
    %swap3A_71 = arith.constant 0 : index
    %swap3A_72 = vector.load %arg9[%swap3A, %swap3A_71] : memref<2000x128xf32, #tpu.memory_space<vmem>>, vector<2000x128xf32>
    tpu.vector_store %arg9[%swap3A, %swap3A_71], %add3A_70 {strides = array<i32>} : memref<2000x128xf32, #tpu.memory_space<vmem>>, vector<2000x128xf32>,
    return
  }
  func.func @transform_0(%arg0: i32) -> (i32, i32) {
    %c0_i32 = arith.constant 0 : i32
    %c0_i32_0 = arith.constant 0 : i32
    return %arg0, %c0_i32 : i32, i32
  }
  func.func @transform_1(%arg0: i32) -> (i32, i32) {
    %c0_i32 = arith.constant 0 : i32
    %c0_i32_0 = arith.constant 0 : i32
    return %arg0, %c0_i32 : i32, i32
  }
  func.func @transform_2(%arg0: i32) -> (i32, i32) {
    %c0_i32 = arith.constant 0 : i32
    %c0_i32_0 = arith.constant 0 : i32
    return %arg0, %c0_i32 : i32, i32
  }
  func.func @transform_3(%arg0: i32) -> (i32, i32) {
    %c0_i32 = arith.constant 0 : i32
    %c0_i32_0 = arith.constant 0 : i32
    return %arg0, %c0_i32 : i32, i32
  }
  func.func @transform_4(%arg0: i32) -> (i32, i32) {
    %c0_i32 = arith.constant 0 : i32
    %c0_i32_0 = arith.constant 0 : i32
    return %arg0, %c0_i32 : i32, i32
  }
  func.func @transform_5(%arg0: i32) -> (i32, i32) {
    %c0_i32 = arith.constant 0 : i32
    %c0_i32_0 = arith.constant 0 : i32
    %c0_i32_1 = arith.constant 0 : i32
    return %c0_i32, %c0_i32_0 : i32, i32
  }
  func.func @transform_6(%arg0: i32) -> (i32, i32) {
    %c0_i32 = arith.constant 0 : i32
    %c0_i32_0 = arith.constant 0 : i32
    %c0_i32_1 = arith.constant 0 : i32
    return %c0_i32, %c0_i32_0 : i32, i32
  }
  func.func @transform_7(%arg0: i32) -> (i32, i32) {
    %c0_i32 = arith.constant 0 : i32
    %c0_i32_0 = arith.constant 0 : i32
    %c0_i32_1 = arith.constant 0 : i32
    return %c0_i32, %c0_i32_0 : i32, i32
  }
  func.func @transform_8(%arg0: i32) -> (i32, i32) {
    %c0_i32 = arith.constant 0 : i32
    %c0_i32_0 = arith.constant 0 : i32
    return %arg0, %c0_i32 : i32, i32
  }
}

</mosaic_0001>

<sc_bundles>
// kernel: kernel.5.cloned.1.call-start
scs
__scs_entry_jumppad:
0x0: {  	(pc) =	sbr.rel $0x88, $3  }
0x1: {  	(tag) =	ssettag $0x0;
	lr =	simm.s32 $0x1  }
0x2: {  	[smem:$0x3F98] =	sst lr;
	_ =	strace $0xD0000000  }
0x3: {  	_ = 	snop  }
0x4: {  	_ = 	snop  }
0x5: {  	_ = 	snop  }
0x6: {  	_ = 	snop  }
0x7: {  	_ = 	snop  }
__scs_overlays_trampoline_lowered:
0x8: {  	[smem:$0x3FA7] =	sst s0  }
0x9: {  	[smem:$0x3FA8] =	sst s1  }
0xa: {  	[smem:$0x3FA9] =	sst s2  }
0xb: {  	[smem:$0x3FAA] =	sst s3  }
0xc: {  	[smem:$0x3FAB] =	sst s4  }
0xd: {  	[smem:$0x3FAC] =	sst s5  }
0xe: {  	[smem:$0x3FAD] =	sst s6  }
0xf: {  	[smem:$0x3FAE] =	sst s7  }
0x10: {  	[smem:$0x3FAF] =	sst s8  }
0x11: {  	[smem:$0x3FB0] =	sst s9;
	s0 =	simm.s32 @!p0 $0x0  }
0x12: {  	s1 =	sld [smem:$0x3F96];
	s0 =	simm.s32 @p0 $0x1  }
0x13: {  	[smem:$0x3FB1] =	sst s0;
	s0 =	simm.s32 @!p1 $0x0  }
0x14: {  	s2 =	sld [smem:$0x3F95];
	s0 =	simm.s32 @p1 $0x1  }
0x15: {  	[smem:$0x3FB2] =	sst s0;
	s0 =	simm.s32 @!p2 $0x0  }
0x16: {  	s3 =	sld [smem:$0x3FDB];
	s0 =	simm.s32 @p2 $0x1  }
0x17: {  	s4 =	simm.s32 $0x1BF5;
	[smem:$0x3FB4] =	sst s0  }
0x18: {  	s0 =	sld [smem:$0x3F97];
	_ =	swait.ge [sflag:s4], $0x0  }
0x19: {  	s7 =	sld [smem:$0x3F98]  }
0x1a: {  	s8 =	sadd.s32 $0xFFFFE003, lr  }
0x1b: {  	s9 =	sadd.s32 $0xFFFFFEF7, lr;
	s5 =	simm.s32 $0xFFFFFFFF;
	p2 =	slt.u32 s8, $0xFFFFF086  }
0x1c: {  	p1 =	slt.u32 s9, $0xF7A;
	s5 =	simm.s32 @!p2 $0x0  }
0x1d: {  	s5 =	simm.s32 @p1 $0x1;
	p0 =	seq.s32 s7, s2  }
0x1e: {  	s7 =	smul.u32 @!p0 $0xF7A, s2;
	p2 =	seq.s32 @!p0 s5, $0x0  }
0x1f: {  	s9 =	smul.u32 $0xF7A, s1;
	s8 =	simm.s32 @!p0 $0x1BF5;
	p2 =	por !p2, p0  }
0x20: {  	[sflag:s8] =	ssyncset.s32 @!p0 $0xFFFFF086;
	s6 =	sadd.s32 @!p0 s3, s7;
	s7 =	simm.s32 @!p0 $0x108  }
0x21: {  	s3 =	sadd.s32 s3, s9;
	s6 =	sadd.s32 @!p0 $0x88, s6;
	s7 =	simm.s32 @p2 $0x1082  }
0x22: {  	[simem:s7], [sflag:s8] =	dma.local @!p0 [hbm:s6], $0xF7A  }
0x23: {  	s9 =	sor.u32 $0xD0000000, s2;
	s6 =	simm.s32 $0x108;
	_ =	swait.ge @!p0 [sflag:s8], $0x0  }
0x24: {  	s3 =	sadd.s32 $0x88, s3;
	s6 =	simm.s32 @!p1 $0x1082;
	[sflag:s4] =	ssyncset.s32 $0xFFFFF086  }
0x25: {  	[simem:s6], [sflag:s4] =	dma.local [hbm:s3], $0xF7A  }
0x26: {  	[smem:$0x3F98] =	sst s1;
	(tag) =	ssettag s2;
	_ =	strace s9  }
0x27: {  	s1 =	sld [smem:$0x3FA8]  }
0x28: {  	s2 =	sld [smem:$0x3FA9]  }
0x29: {  	s4 =	sld [smem:$0x3FAB]  }
0x2a: {  	p0 =	seq.s32 s5, $0x0;
	s5 =	sld [smem:$0x3FAC]  }
0x2b: {  	s6 =	sld [smem:$0x3FAD]  }
0x2c: {  	s7 =	sld [smem:$0x3FAE]  }
0x2d: {  	s3 =	simm.s32 $0x108;
	s8 =	sld [smem:$0x3FAF]  }
0x2e: {  	s3 =	simm.s32 @!p0 $0x1082;
	s9 =	sld [smem:$0x3FB0]  }
0x2f: {  	lr =	sadd.s32 s0, s3;
	s0 =	sld [smem:$0x3FA7]  }
0x30: {  	s3 =	sld [smem:$0x3FAA]  }
0x31: {  	[smem:$0x3FB3] =	sst s10  }
0x32: {  	s10 =	sld [smem:$0x3FB1];
	_ =	sdelay $0x3  }
0x33: {  	p0 =	seq.s32 s10, $0x1;
	s10 =	sld [smem:$0x3FB3];
	_ =	sdelay $0x3  }
0x34: {  	[smem:$0x3FB3] =	sst s10  }
0x35: {  	s10 =	sld [smem:$0x3FB2];
	_ =	sdelay $0x3  }
0x36: {  	p1 =	seq.s32 s10, $0x1;
	s10 =	sld [smem:$0x3FB3];
	_ =	sdelay $0x3  }
0x37: {  	[smem:$0x3FB3] =	sst s10  }
0x38: {  	s10 =	sld [smem:$0x3FB4]  }
0x39: {  	_ = 	snop;
	(pc) =	sbr.ind lr, $3  }
0x3a: {  	_ = 	snop  }
0x3b: {  	_ = 	snop  }
0x3c: {  	p2 =	seq.s32 s10, $0x1;
	s10 =	sld [smem:$0x3FB3]  }
0x3d: {  	_ =	shalt  }
0x3e: {  	_ =	shalt  }
0x3f: {  	_ =	shalt  }
0x40: {  	_ =	shalt  }
0x41: {  	_ =	shalt  }
0x42: {  	_ =	shalt  }
0x43: {  	_ =	shalt  }
0x44: {  	_ =	shalt  }
0x45: {  	_ =	shalt  }
0x46: {  	_ =	shalt  }
0x47: {  	_ =	shalt  }
0x48: {  	_ =	shalt  }
0x49: {  	_ =	shalt  }
0x4a: {  	_ =	shalt  }
0x4b: {  	_ =	shalt  }
0x4c: {  	_ =	shalt  }
0x4d: {  	_ =	shalt  }
0x4e: {  	_ =	shalt  }
0x4f: {  	_ =	shalt  }
0x50: {  	_ =	shalt  }
0x51: {  	_ =	shalt  }
0x52: {  	_ =	shalt  }
0x53: {  	_ =	shalt  }
0x54: {  	_ =	shalt  }
0x55: {  	_ =	shalt  }
0x56: {  	_ =	shalt  }
0x57: {  	_ =	shalt  }
0x58: {  	_ =	shalt  }
0x59: {  	_ =	shalt  }
0x5a: {  	_ =	shalt  }
0x5b: {  	_ =	shalt  }
0x5c: {  	_ =	shalt  }
0x5d: {  	_ =	shalt  }
0x5e: {  	_ =	shalt  }
0x5f: {  	_ =	shalt  }
0x60: {  	_ =	shalt  }
0x61: {  	_ =	shalt  }
0x62: {  	_ =	shalt  }
0x63: {  	_ =	shalt  }
0x64: {  	_ =	shalt  }
0x65: {  	_ =	shalt  }
0x66: {  	_ =	shalt  }
0x67: {  	_ =	shalt  }
0x68: {  	_ =	shalt  }
0x69: {  	_ =	shalt  }
0x6a: {  	_ =	shalt  }
0x6b: {  	_ =	shalt  }
0x6c: {  	_ =	shalt  }
0x6d: {  	_ =	shalt  }
0x6e: {  	_ =	shalt  }
0x6f: {  	_ =	shalt  }
0x70: {  	_ =	shalt  }
0x71: {  	_ =	shalt  }
0x72: {  	_ =	shalt  }
0x73: {  	_ =	shalt  }
0x74: {  	_ =	shalt  }
0x75: {  	_ =	shalt  }
0x76: {  	_ =	shalt  }
0x77: {  	_ =	shalt  }
0x78: {  	_ =	shalt  }
0x79: {  	_ =	shalt  }
0x7a: {  	_ =	shalt  }
0x7b: {  	_ =	shalt  }
0x7c: {  	_ =	shalt  }
0x7d: {  	_ =	shalt  }
0x7e: {  	_ =	shalt  }
0x7f: {  	_ =	shalt  }
0x80: {  	_ =	shalt  }
0x81: {  	_ =	shalt  }
0x82: {  	_ =	shalt  }
0x83: {  	_ =	shalt  }
0x84: {  	_ =	shalt  }
0x85: {  	_ =	shalt  }
0x86: {  	_ =	shalt  }
0x87: {  	_ =	shalt  }
.Lfunc_end0:
.L_simem_size_0:
called_computation_lowered:
.L_overlay_start_0:
0x88: {  	s2 =	sld [smem:$0x3FD9]  }
0x89: {  	s3 =	sld [smem:$0x3FFE];
	_ =	sdelay $0x1  }
0x8a: {  	s1 =	srdreg.scid  }
0x8b: {  	s0 =	sand.u32 $0x1, s1  }
0x8c: {  	s17 =	sshll.u32 s0, $0xA;
	s2 =	sadd.s32 s3, s2  }
0x8d: {  	s2 =	sadd.s32 s2, s17  }
0x8e: {  	[smem:$0x3FBF] =	sst s2  }
0x8f: {  	_ = 	snop  }
0x90: {  	s2 =	sld [smem:$0x3FD0];
	(tm) =	ssettm $0x1  }
0x91: {  	s18 =	sld [smem:$0x3FFB];
	_ =	sdelay $0x3  }
0x92: {  	_ =	strace s18  }
0x93: {  	s3 =	sld [smem:$0x3FFC];
	_ =	sdelay $0x3  }
0x94: {  	_ =	strace s3  }
0x95: {  	s3 =	sld [smem:$0x3FFD];
	_ =	sdelay $0x3  }
0x96: {  	_ =	strace s3  }
0x97: {  	_ =	strace $0x8FFFFFFF  }
0x98: {  	s19 =	sld [smem:$0x3FDB];
	_ =	sdelay $0x1  }
0x99: {  	s4 =	simm.s32 $_scs_section_size  }
0x9a: {  	s5 =	simm.s32 $_size__tile_overlayer_lowered;
	s6 =	simm.s32 $_tile_overlayer_lowered  }
0x9b: {  	s22 =	simm.s32 $0x1BFF;
	s21 =	sshll.u32 s6, $0x1;
	s3 =	sadd.s32 s4, s19  }
0x9c: {  	s7 =	simm.s32 $0x0;
	s20 =	sshll.u32 s5, $0x1;
	s5 =	sadd.s32 s21, s3  }
0x9d: {  	[timem:s7], [sflag:s22] =	dma.local [hbm:s5], s20  }
0x9e: {  	_ =	swait.ge [sflag:s22], s20  }
0x9f: {  	s4 =	ssub.s32 $0x0, s20;
	[sflag:s22] =	ssyncset.done $0x0  }
0xa0: {  	[sflag:s22] =	ssyncadd.s32 s4;
	_ =	sdelay $0x1  }
0xa1: {  	s23 =	simm.s32 $0x1B8B  }
0xa2: {  	_ =	swait.ge [sflag:s23], $0x1  }
0xa3: {  	[sflag:s23] =	ssyncset.done $0x0  }
0xa4: {  	s25 =	simm.s32 $0x1B8E;
	s24 =	sld [smem:$0x3FFE];
	[sflag:s23] =	ssyncadd.s32 $0xFFFFFFFF  }
0xa5: {  	s26 =	simm.s32 $execute0_lowered;
	[smem:$0x3FD2] =	sst s25  }
0xa6: {  	s5 =	sshll.u32 s26, $0x1;
	_ =	strace $0x80000046;
	[dreg:$0x1] =	wrdreg $0xFFFFFFFF  }
0xa7: {  	s28 =	simm.s32 $_size_execute0_lowered;
	s3 =	sadd.s32 s3, s5;
	[dreg:$0x0] =	wrdreg $0x0  }
0xa8: {  	s5 =	sshll.u32 s28, $0x1;
	[dreg:$0x2] =	wrdreg s3  }
0xa9: {  	[dreg:$0x3] =	wrdreg s5  }
0xaa: {  	[dreg:$0x4] =	wrdreg $0xC0  }
0xab: {  	_ =	task [dreg:s7], $0x5FFFF  }
0xac: {  	[dreg:$0x1] =	wrdreg $0xFFFFFFFF  }
0xad: {  	[dreg:$0x0] =	wrdreg $0x60  }
0xae: {  	[dreg:$0x2] =	wrdreg s24  }
0xaf: {  	[dreg:$0x3] =	wrdreg s2  }
0xb0: {  	[dreg:$0x4] =	wrdreg $0x0  }
0xb1: {  	[dreg:$0x5] =	wrdreg $0x9  }
0xb2: {  	_ =	task.clear_ibuf [dreg:s7], $0x6FFFF;
	_ =	strace $0x90000046  }
0xb3: {  	s29 =	simm.s32 $0x9;
	_ =	strace $0x80000048  }
0xb4: {  	_ =	swait.ge [sflag:s29], $0x1  }
0xb5: {  	[sflag:s29] =	ssyncadd.s32 $0xFFFFFFFF  }
0xb6: {  	_ =	strace $0x90000048  }
0xb7: {  	_ =	sfence  }
0xb8: {  	s30 =	sld [smem:$0x0];
	_ =	sdelay $0x2  }
0xb9: {  	s31 =	sshll.u32 s1, $0xD;
	s1 =	sshrl.u32 s1, $0x2  }
0xba: {  	s3 =	sand.u32 $0x4000, s31;
	s1 =	sadd.s32 s1, s30  }
0xbb: {  	s0 =	sor.u32 s3, s0;
	s1 =	sshll.u32 s1, $0x11  }
0xbc: {  	s0 =	sor.u32 s1, s0  }
0xbd: {  	s0 =	sadd.s32 $0x8F2B, s0  }
0xbe: {  	[sflag:s0] =	ssyncadd.remote.s32 $0x1  }
0xbf: {  	_ =	sfence.sel $0xFFFF  }
0xc0: {  	[dreg:$0x0] =	wrdreg $0xFFFFFFFF;
	(pc) =	sbr.abs _section_cstart, $3  }
0xc1: {  	[dreg:$0x1] =	wrdreg $0xFFFFFFFF  }
0xc2: {  	_ =	task.clear_ibuf [dreg:s7], $0x2FFFF;
	_ =	strace $0x9FFFFFFF  }
0xc3: {  	(tm) =	ssettm $0x7FFFFFFF  }
tec
execute0_lowered:
.L_overlay_start_1:
0x0: {  	(tag) =	ssettag $0x1  }
0x1: {  	s0 =	rddreg [dreg:$0x0]  }
0x2: {  	s15 =	rddreg [dreg:$0x1]  }
0x3: {  	s1 =	rddreg [dreg:$0x2]  }
0x4: {  	s2 =	simm.s32 $0x0;
	s25 =	stileid.u32;
	s6 =	srdreg.scid  }
0x5: {  	s28 =	simm.s32 $0x80;
	s29 =	simm.s32 $0x188C0;
	s17 =	smul.u32 $0x500, s25  }
0x6: {  	[smem:$0x7FF] =	sst s2;
	s3 =	sadd.s32 $0x149E00, s0;
	s22 =	smul.u32 $0x2700, s25  }
0x7: {  	s4 =	sadd.s32 $0x11600, s0;
	s5 =	sadd.s32 $0xADA00, s0;
	s24 =	sand.u32 $0x1, s6  }
0x8: {  	s6 =	sadd.s32 $0xD5400, s0;
	s12 =	smul.u32 $0x4E000, s25;
	s7 =	sadd.s32 $0xFC600, s0  }
0x9: {  	s30 =	simm.s32 $0x1;
	s8 =	sadd.s32 $0x1E6200, s0;
	s9 =	sadd.s32 $0x20D400, s0  }
0xa: {  	s19 =	sshll.u32 s25, $0x6;
	s14 =	sadd.s32 $0xD5200, s0;
	p0 =	sne.s32 s25, $0x0  }
0xb: {  	p2 =	seq.s32 s25, $0x0;
	s25 =	simm.s32 $0x138C0;
	_ =	strace $0x80000047  }
0xc: {  	s10 =	ssub.s32 $0x2, s24;
	p1 =	sne.s32 s24, $0x0;
	s24 =	simm.s32 $0x2  }
0xd: {  	s18 =	sadd.s32 s17, s0;
	s11 =	sadd.s32 s22, s0;
	s13 =	sshrl.u32 s10, $0x1  }
0xe: {  	s16 =	sshrl.u32 s12, $0x2;
	s12 =	sor.u32 $0x1C02, s19;
	s26 =	sadd.s32 s15, s17  }
0xf: {  	s19 =	sadd.s32 s7, s22;
	s23 =	ssub.s32 s10, s13;
	s10 =	sadd.s32 s16, s1  }
.Ltmp0:
0x10: {  	s20 =	sadd.s32 $0xC600, s18;
	[dreg:$0x6] =	wrdreg s26;
	(pc) =	sbr.rel .LBB2_1-.Ltmp0, $4  }
0x11: {  	s11 =	sadd.s32 $0xAE200, s11;
	s21 =	sadd.s32 $0x7600, s18;
	[dreg:$0x4] =	wrdreg s20  }
0x12: {  	s13 =	sadd.s32 $0x138000, s1;
	s31 =	sadd.s32 $0x2600, s18;
	[dreg:$0x5] =	wrdreg s21  }
0x13: {  	s26 =	simm.s32 $0x160C0;
	[dreg:$0x7] =	wrdreg s31;
	s20 =	sadd.s32 s6, s22  }
0x14: {  	s21 =	sadd.s32 s9, s22;
	s22 =	sadd.s32 s8, s22;
	s23 =	smax.u32 s23, $0x1  }
.LBB2_16:
0x15: {  	s0 =	sadd.s32 $0x27000, s0;
	s15 =	sshrl.u32 s13, $0x3  }
0x16: {  	[hbm:s0], [sflag:s12] =	dma.local [spmem:s15], $0x180  }
0x17: {  	_ =	swait.ge [sflag:s24], $0x180  }
0x18: {  	[sflag:s24] =	ssyncset.done $0x0  }
0x19: {  	[sflag:s24] =	ssyncadd.s32 $0xFFFFFE80  }
.LBB2_17:
0x1a: {  	s2 =	sadd.s32 $0x1, s2  }
0x1b: {  	p3 =	sne.s32 s2, s23  }
.Ltmp1:
0x1c: {  	_ = 	snop;
	(pc) =	sbr.rel @!p3 .LBB2_18-.Ltmp1, $1  }
0x1d: {  	_ =	sdelay $0x3  }
.LBB2_1:
0x1e: {  	s31 =	sshrl.u32 s10, $0x3  }
0x1f: {  	[spmem:s31], [sflag:s12] =	dma.local [hbm:s11], $0x2700  }
0x20: {  	_ =	swait.ge [sflag:s24], $0x2700  }
0x21: {  	[sflag:s24] =	ssyncset.done $0x0  }
0x22: {  	s0 =	sshrl.u32 @!p0 s13, $0x3;
	[sflag:s24] =	ssyncadd.s32 $0xFFFFD900  }
0x23: {  	[spmem:s0], [sflag:s12] =	dma.local @!p0 [hbm:s14], $0x180  }
0x24: {  	s0 =	simm.s32 @!p0 $0x2  }
.Ltmp2:
0x25: {  	_ =	swait.ge @!p0 [sflag:s0], $0x180;
	(pc) =	sbr.rel @p1 .LBB2_6-.Ltmp2, $4  }
0x26: {  	[sflag:s0] =	ssyncset.done @!p0 $0x0  }
0x27: {  	[sflag:s0] =	ssyncadd.s32 @!p0 $0xFFFFFE80  }
0x28: {  	[bflag:$0x0] =	sbarrier.arrive $0xFFFF  }
0x29: {  	s0 =	simm.s32 $0x0  }
0x2a: {  	s15 =	rddreg [dreg:$0x6]  }
0x2b: {  	[tilespmem:s25], [sflag:$0x2] =	stream.linear.gather [hbm4b:s15+s0], $0x2780, $0x38;
	[tilespmem:$0x1C8C0] =	vst v63  }
0x2c: {  	_ =	swait.ge [sflag:s24], $0x2780  }
0x2d: {  	[sflag:s24] =	ssyncset.done $0x0  }
0x2e: {  	s16 =	rddreg [dreg:$0x7];
	[sflag:s24] =	ssyncadd.s32 $0xFFFFD880  }
0x2f: {  	[tilespmem:s26], [sflag:$0x2] =	stream.linear.gather [hbm4b:s16+s0], $0x2780, $0x38;
	[tilespmem:$0x1C8C0] =	vst v63  }
0x30: {  	_ =	swait.ge [sflag:s24], $0x2780  }
0x31: {  	[sflag:s24] =	ssyncset.done $0x0  }
0x32: {  	s17 =	simm.s32 $0x138C0;
	[sflag:s24] =	ssyncadd.s32 $0xFFFFD880  }
0x33: {  	[tilespmem:s29], [sflag:$0x1] =	stream.indirect.gather [hbm4b:s3+s28], $0x80, s17, s28, $0xb8;
	[tilespmem:$0x1C8C0] =	vst v63  }
0x34: {  	_ =	swait.ge [sflag:s30], $0x4000  }
0x35: {  	[sflag:s30] =	ssyncset.done $0x0  }
0x36: {  	s18 =	simm.s32 $0x160C0;
	[sflag:s30] =	ssyncadd.s32 $0xFFFFC000  }
0x37: {  	[spmem:s1] =	stream.indirect.scatter.add.f32 [tilespmem:s29], [sflag:$0x2], $0x80, s18, s28, $0xb8;
	[tilespmem:$0x1C8C0] =	vst v63  }
0x38: {  	_ =	swait.ge [sflag:s24], $0x4000  }
0x39: {  	s15 =	simm.s32 $0x400;
	s0 =	simm.s32 $0x80;
	[sflag:s24] =	ssyncset.done $0x0  }
.LBB2_3:
0x3a: {  	s16 =	sadd.s32 $0x138C0, s0  }
0x3b: {  	[sflag:s24] =	ssyncadd.s32 $0xFFFFC000;
	s17 =	smov.u32 s15;
	s18 =	sadd.s32 $0x200, s15  }
0x3c: {  	[tilespmem:s29], [sflag:$0x1] =	stream.indirect.gather [hbm4b:s3+s28], $0x80, s16, s28, $0xb8;
	[tilespmem:$0x1C8C0] =	vst v63  }
0x3d: {  	p3 =	seq.s32 s15, $0x9C00;
	_ =	swait.ge [sflag:s30], $0x4000  }
.Ltmp3:
0x3e: {  	[sflag:s30] =	ssyncset.done $0x0;
	(pc) =	sbr.rel @!p3 .LBB2_3-.Ltmp3, $4  }
0x3f: {  	s0 =	sadd.s32 $0x160C0, s0;
	[sflag:s30] =	ssyncadd.s32 $0xFFFFC000  }
0x40: {  	[spmem:s1] =	stream.indirect.scatter.add.f32 [tilespmem:s29], [sflag:$0x2], $0x80, s0, s28, $0xb8;
	[tilespmem:$0x1C8C0] =	vst v63  }
0x41: {  	_ =	swait.ge [sflag:s24], $0x4000  }
0x42: {  	s15 =	smov.u32 s18;
	s0 =	sshra.s32 s17, $0x2;
	[sflag:s24] =	ssyncset.done $0x0  }
0x43: {  	s15 =	sadd.s32 $0x138C0, s0;
	[sflag:s24] =	ssyncadd.s32 $0xFFFFC000  }
0x44: {  	[tilespmem:s29], [sflag:$0x1] =	stream.indirect.gather [hbm4b:s3+s28], $0x80, s15, s28, $0xb8;
	[tilespmem:$0x1C8C0] =	vst v63  }
0x45: {  	_ =	swait.ge [sflag:s30], $0x4000  }
0x46: {  	[sflag:s30] =	ssyncset.done $0x0  }
0x47: {  	s18 =	sadd.s32 $0x160C0, s0;
	[sflag:s30] =	ssyncadd.s32 $0xFFFFC000  }
0x48: {  	[spmem:s1] =	stream.indirect.scatter.add.f32 [tilespmem:s29], [sflag:$0x2], $0x80, s18, s28, $0xb8;
	[tilespmem:$0x1C8C0] =	vst v63  }
0x49: {  	_ =	swait.ge [sflag:s24], $0x4000  }
0x4a: {  	[sflag:s24] =	ssyncset.done $0x0  }
0x4b: {  	[sflag:s24] =	ssyncadd.s32 $0xFFFFC000  }
.Ltmp4:
0x4c: {  	[bflag:$0x0] =	sbarrier.arrive $0xFFFF;
	(pc) =	sbr.rel @p2 .LBB2_9-.Ltmp4, $4  }
0x4d: {  	[hbm:s20], [sflag:s12] =	dma.local [spmem:s31], $0x2700  }
0x4e: {  	_ =	swait.ge [sflag:s24], $0x2700  }
0x4f: {  	[sflag:s24] =	ssyncset.done $0x0  }
0x50: {  	s0 =	smov.u32 s6;
	[sflag:s24] =	ssyncadd.s32 $0xFFFFD900  }
.Ltmp5:
0x51: {  	[bflag:$0x0] =	sbarrier.arrive $0xFFFF;
	(pc) =	sbr.rel .LBB2_11-.Ltmp5, $4  }
0x52: {  	[spmem:s31], [sflag:s12] =	dma.local [hbm:s11], $0x2700  }
0x53: {  	_ =	swait.ge [sflag:s24], $0x2700  }
0x54: {  	[sflag:s24] =	ssyncset.done $0x0  }
0x55: {  	[sflag:s24] =	ssyncadd.s32 $0xFFFFD900  }
.LBB2_6:
0x56: {  	s15 =	rddreg [dreg:$0x4]  }
0x57: {  	[tilespmem:s25], [sflag:$0x2] =	stream.linear.gather [hbm4b:s15+s0], $0x2780, $0x38;
	[tilespmem:$0x1C8C0] =	vst v63  }
0x58: {  	_ =	swait.ge [sflag:s24], $0x2780  }
0x59: {  	[sflag:s24] =	ssyncset.done $0x0  }
0x5a: {  	s16 =	rddreg [dreg:$0x5];
	[sflag:s24] =	ssyncadd.s32 $0xFFFFD880  }
0x5b: {  	[tilespmem:s26], [sflag:$0x2] =	stream.linear.gather [hbm4b:s16+s0], $0x2780, $0x38;
	[tilespmem:$0x1C8C0] =	vst v63  }
0x5c: {  	_ =	swait.ge [sflag:s24], $0x2780  }
0x5d: {  	[sflag:s24] =	ssyncset.done $0x0  }
0x5e: {  	s17 =	simm.s32 $0x138C0;
	[sflag:s24] =	ssyncadd.s32 $0xFFFFD880  }
0x5f: {  	[tilespmem:s29], [sflag:$0x1] =	stream.indirect.gather [hbm4b:s4+s28], $0x80, s17, s28, $0xb8;
	[tilespmem:$0x1C8C0] =	vst v63  }
0x60: {  	_ =	swait.ge [sflag:s30], $0x4000  }
0x61: {  	[sflag:s30] =	ssyncset.done $0x0  }
0x62: {  	s18 =	simm.s32 $0x160C0;
	[sflag:s30] =	ssyncadd.s32 $0xFFFFC000  }
0x63: {  	[spmem:s1] =	stream.indirect.scatter.add.f32 [tilespmem:s29], [sflag:$0x2], $0x80, s18, s28, $0xb8;
	[tilespmem:$0x1C8C0] =	vst v63  }
0x64: {  	_ =	swait.ge [sflag:s24], $0x4000  }
0x65: {  	s15 =	simm.s32 $0x400;
	s0 =	simm.s32 $0x80;
	[sflag:s24] =	ssyncset.done $0x0  }
.LBB2_7:
0x66: {  	s16 =	sadd.s32 $0x138C0, s0  }
0x67: {  	[sflag:s24] =	ssyncadd.s32 $0xFFFFC000;
	s17 =	smov.u32 s15;
	s18 =	sadd.s32 $0x200, s15  }
0x68: {  	[tilespmem:s29], [sflag:$0x1] =	stream.indirect.gather [hbm4b:s4+s28], $0x80, s16, s28, $0xb8;
	[tilespmem:$0x1C8C0] =	vst v63  }
0x69: {  	p3 =	sne.s32 s15, $0x9C00;
	_ =	swait.ge [sflag:s30], $0x4000  }
.Ltmp6:
0x6a: {  	[sflag:s30] =	ssyncset.done $0x0;
	(pc) =	sbr.rel @p3 .LBB2_7-.Ltmp6, $4  }
0x6b: {  	s0 =	sadd.s32 $0x160C0, s0;
	[sflag:s30] =	ssyncadd.s32 $0xFFFFC000  }
0x6c: {  	[spmem:s1] =	stream.indirect.scatter.add.f32 [tilespmem:s29], [sflag:$0x2], $0x80, s0, s28, $0xb8;
	[tilespmem:$0x1C8C0] =	vst v63  }
0x6d: {  	_ =	swait.ge [sflag:s24], $0x4000  }
0x6e: {  	s15 =	smov.u32 s18;
	s0 =	sshra.s32 s17, $0x2;
	[sflag:s24] =	ssyncset.done $0x0  }
0x6f: {  	s15 =	sadd.s32 $0x138C0, s0;
	[sflag:s24] =	ssyncadd.s32 $0xFFFFC000  }
0x70: {  	[tilespmem:s29], [sflag:$0x1] =	stream.indirect.gather [hbm4b:s4+s28], $0x80, s15, s28, $0xb8;
	[tilespmem:$0x1C8C0] =	vst v63  }
0x71: {  	_ =	swait.ge [sflag:s30], $0x4000  }
0x72: {  	[sflag:s30] =	ssyncset.done $0x0  }
0x73: {  	s18 =	sadd.s32 $0x160C0, s0;
	[sflag:s30] =	ssyncadd.s32 $0xFFFFC000  }
0x74: {  	[spmem:s1] =	stream.indirect.scatter.add.f32 [tilespmem:s29], [sflag:$0x2], $0x80, s18, s28, $0xb8;
	[tilespmem:$0x1C8C0] =	vst v63  }
0x75: {  	_ =	swait.ge [sflag:s24], $0x4000  }
0x76: {  	[sflag:s24] =	ssyncset.done $0x0  }
0x77: {  	[sflag:s24] =	ssyncadd.s32 $0xFFFFC000  }
.Ltmp7:
0x78: {  	[bflag:$0x0] =	sbarrier.arrive $0xFFFF;
	(pc) =	sbr.rel @!p0 .LBB2_9-.Ltmp7, $4  }
0x79: {  	[hbm:s19], [sflag:s12] =	dma.local [spmem:s31], $0x2700  }
0x7a: {  	_ =	swait.ge [sflag:s24], $0x2700  }
0x7b: {  	[sflag:s24] =	ssyncset.done $0x0  }
0x7c: {  	s0 =	smov.u32 s7;
	[sflag:s24] =	ssyncadd.s32 $0xFFFFD900  }
.Ltmp8:
0x7d: {  	[bflag:$0x0] =	sbarrier.arrive $0xFFFF;
	(pc) =	sbr.rel .LBB2_11-.Ltmp8, $4  }
0x7e: {  	[spmem:s31], [sflag:s12] =	dma.local [hbm:s11], $0x2700  }
0x7f: {  	_ =	swait.ge [sflag:s24], $0x2700  }
0x80: {  	[sflag:s24] =	ssyncset.done $0x0  }
0x81: {  	[sflag:s24] =	ssyncadd.s32 $0xFFFFD900  }
.LBB2_9:
0x82: {  	s0 =	sadd.s32 $0x27000, s0;
	s15 =	sshrl.u32 s13, $0x3  }
0x83: {  	[hbm:s0], [sflag:s12] =	dma.local [spmem:s15], $0x180  }
0x84: {  	_ =	swait.ge [sflag:s24], $0x180  }
0x85: {  	[sflag:s24] =	ssyncset.done $0x0  }
0x86: {  	[sflag:s24] =	ssyncadd.s32 $0xFFFFFE80  }
0x87: {  	[bflag:$0x0] =	sbarrier.arrive $0xFFFF  }
0x88: {  	[spmem:s31], [sflag:s12] =	dma.local [hbm:s11], $0x2700  }
0x89: {  	_ =	swait.ge [sflag:s24], $0x2700  }
0x8a: {  	[sflag:s24] =	ssyncset.done $0x0  }
0x8b: {  	[sflag:s24] =	ssyncadd.s32 $0xFFFFD900  }
0x8c: {  	[spmem:s15], [sflag:s12] =	dma.local [hbm:s14], $0x180  }
0x8d: {  	_ =	swait.ge [sflag:s24], $0x180  }
0x8e: {  	[sflag:s24] =	ssyncset.done $0x0  }
0x8f: {  	[sflag:s24] =	ssyncadd.s32 $0xFFFFFE80  }
.LBB2_11:
0x90: {  	s0 =	simm.s32 $0x0  }
0x91: {  	[tilespmem:s29], [sflag:$0x2] =	stream.linear.gather [hbm4b:s5+s0], $0x4000, $0x38;
	[tilespmem:$0x1C8C0] =	vst v63  }
0x92: {  	_ =	swait.ge [sflag:s24], $0x4000  }
0x93: {  	[sflag:s24] =	ssyncset.done $0x0  }
0x94: {  	[sflag:s24] =	ssyncadd.s32 $0xFFFFC000  }
0x95: {  	s18 =	simm.s32 $0x160C0;
	[bflag:$0x0] =	sbarrier.arrive $0xFFFF  }
0x96: {  	[spmem:s1] =	stream.indirect.scatter.add.f32 [tilespmem:s29], [sflag:$0x2], $0x80, s18, s28, $0xb8;
	[tilespmem:$0x1C8C0] =	vst v63  }
0x97: {  	s0 =	simm.s32 $0x200;
	_ =	swait.ge [sflag:s24], $0x4000  }
.LBB2_12:
0x98: {  	s15 =	sshra.s32 s0, $0x2;
	[sflag:s24] =	ssyncset.done $0x0;
	p3 =	sne.s32 s0, $0x9C00  }
.Ltmp9:
0x99: {  	s15 =	sadd.s32 $0x160C0, s15;
	[sflag:s24] =	ssyncadd.s32 $0xFFFFC000;
	(pc) =	sbr.rel @p3 .LBB2_12-.Ltmp9, $3  }
0x9a: {  	[spmem:s1] =	stream.indirect.scatter.add.f32 [tilespmem:s29], [sflag:$0x2], $0x80, s15, s28, $0xb8;
	[tilespmem:$0x1C8C0] =	vst v63  }
0x9b: {  	s0 =	sadd.s32 $0x200, s0;
	_ =	sdelay $0x1  }
0x9c: {  	_ =	swait.ge [sflag:s24], $0x4000  }
.Ltmp10:
0x9d: {  	(pc) =	sbr.rel @p1 .LBB2_15-.Ltmp10, $3  }
0x9e: {  	[sflag:s24] =	ssyncset.done $0x0  }
0x9f: {  	[sflag:s24] =	ssyncadd.s32 $0xFFFFC000  }
0xa0: {  	[bflag:$0x0] =	sbarrier.arrive $0xFFFF;
	_ =	sdelay $0x1  }
0xa1: {  	[hbm:s22], [sflag:s12] =	dma.local [spmem:s31], $0x2700  }
.Ltmp11:
0xa2: {  	_ = 	snop;
	(pc) =	sbr.rel @!p2 .LBB2_17-.Ltmp11, $4  }
.Ltmp12:
0xa3: {  	_ = 	snop;
	(pc) =	sbr.rel @p2 .LBB2_16-.Ltmp12, $4  }
0xa4: {  	_ =	swait.ge [sflag:s24], $0x2700  }
0xa5: {  	[sflag:s24] =	ssyncset.done $0x0  }
0xa6: {  	s0 =	smov.u32 s8;
	[sflag:s24] =	ssyncadd.s32 $0xFFFFD900  }
0xa7: {  	_ = 	snop  }
.LBB2_15:
0xa8: {  	[hbm:s21], [sflag:s12] =	dma.local [spmem:s31], $0x2700  }
.Ltmp13:
0xa9: {  	_ = 	snop;
	(pc) =	sbr.rel @p0 .LBB2_17-.Ltmp13, $4  }
.Ltmp14:
0xaa: {  	_ = 	snop;
	(pc) =	sbr.rel @!p0 .LBB2_16-.Ltmp14, $4  }
0xab: {  	_ =	swait.ge [sflag:s24], $0x2700  }
0xac: {  	[sflag:s24] =	ssyncset.done $0x0  }
0xad: {  	s0 =	smov.u32 s9;
	[sflag:s24] =	ssyncadd.s32 $0xFFFFD900  }
0xae: {  	_ = 	snop  }
.LBB2_18:
0xaf: {  	_ =	sfence.sel $0x180000  }
0xb0: {  	[bflag:$0x0] =	sbarrier.arrive $0xFFFF  }
0xb1: {  	_ =	strace $0x90000047  }
0xb2: {  	[bflag:$0x2] =	sbarrier.arrive $0xFFFF  }
0xb3: {  	s0 =	rddreg [dreg:$0x3]  }
0xb4: {  	s0 =	sadd.s32 @!p0 $0x100000, s0  }
0xb5: {  	[sflag:s0] =	ssyncadd.tile.s32 @!p0 $0x1;
	_ =	shalt  }
.Lfunc_end2:
_tile_overlayer_lowered:
.L_overlay_start_2:
0xb6: {  	(tag) =	ssettag $0x2  }
0xb7: {  	s0 =	rddreg [dreg:$0x0];
	s2 =	stileid.u32  }
0xb8: {  	s1 =	rddreg [dreg:$0x1];
	p0 =	sne.s32 s2, $0x0  }
0xb9: {  	s3 =	rddreg [dreg:$0x2];
	[bflag:$0x3] =	sbarrier.arrive $0xFFFF;
	s2 =	simm.s32 @!p0 $0x1C02  }
0xba: {  	[timem:s3], [sflag:s2] =	dma.local @!p0 [hbm:s0], s1  }
0xbb: {  	s0 =	simm.s32 @!p0 $0x2  }
0xbc: {  	_ =	swait.ge @!p0 [sflag:s0], s1  }
0xbd: {  	s1 =	ssub.s32 @!p0 $0x0, s1;
	[sflag:s0] =	ssyncset.done @!p0 $0x0  }
0xbe: {  	[sflag:s0] =	ssyncadd.s32 @!p0 s1  }
0xbf: {  	[bflag:$0x3] =	sbarrier.arrive $0xFFFF  }
0xc0: {  	_ =	shalt  }

</sc_bundles>
